<compile_context>
chip_gen: v7x
topology: tpu7x:2x2x1
jax: 0.10.2.dev20260603
libtpu: 0.0.44.dev20260713+nightly
codegen_flags: <defaults>
</compile_context>

<pallas_src>
import functools

import jax
import jax.numpy as jnp
from jax import lax
from jax.experimental import pallas as pl
from jax.experimental.pallas import tpu as pltpu
from jax.experimental.pallas import tpu_sc as plsc

_B, _N, _D0, _D1, _D2, _K = 128, 1024, 96, 64, 32, 512
_DP = 128
_BN = _B * _N
_R = 32
_T = 4096
_G = _BN // _T

_NC, _NS = 2, 16
_NW = _NC * _NS
_BPW = _BN // _NW
_CH = 256
_NCH = _BPW // _CH
_IG = 256
_NIG = _CH // _IG


def _table_body(cb, wd1, bd1, wd2, bd2, tbl_ref):
    th = jnp.maximum(
        jnp.dot(cb[...], wd1[...], preferred_element_type=jnp.float32)
        + bd1[...], 0.0)
    tbl = (jnp.dot(th, wd2[...], preferred_element_type=jnp.float32)
           + bd2[...])
    for r in range(_R):
        tbl_ref[pl.ds(r * _K, _K), :] = tbl


def _table(cb, W_d1, b_d1, W_d2, b_d2):
    return pl.pallas_call(
        _table_body,
        out_shape=jax.ShapeDtypeStruct((_R * _K, _DP), jnp.float32),
    )(cb, W_d1, b_d1, W_d2, b_d2)


def _encode_body(x_ref, we1, be1, we2, be2, cbt, idx_ref):
    h = jnp.maximum(
        jnp.dot(x_ref[...], we1[...], preferred_element_type=jnp.float32)
        + be1[...], 0.0)
    z = (jnp.dot(h, we2[...], preferred_element_type=jnp.float32)
         + be2[...])
    scores = jnp.dot(z, cbt[...], preferred_element_type=jnp.float32)
    z2 = jnp.sum(z * z, axis=1, keepdims=True)
    cbt_v = cbt[...]
    cb2 = jnp.sum(cbt_v * cbt_v, axis=0, keepdims=True)
    dist = (z2 - 2.0 * scores) + cb2
    mn = jnp.min(dist, axis=1, keepdims=True)
    ids = lax.broadcasted_iota(jnp.int32, (1, _K), 1).astype(jnp.float32)
    idx_f = jnp.min(jnp.where(dist <= mn, ids, float(_K)), axis=1,
                    keepdims=True)
    idx = idx_f.astype(jnp.int32)
    rep = (lax.broadcasted_iota(jnp.int32, idx.shape, 0) & (_R - 1)) * _K
    idx_ref[...] = idx + rep


def _encode(x2, W_e1, b_e1, W_e2, b_e2, cbt, off, n):
    full = lambda shape: pl.BlockSpec(shape, lambda i: (0,) * len(shape))
    return pl.pallas_call(
        _encode_body,
        grid=(n // _T,),
        in_specs=[
            pl.BlockSpec((_T, _D0), lambda i: (i + off, 0)),
            full((_D0, _D1)), full((1, _D1)),
            full((_D1, _D2)), full((1, _D2)),
            full((_D2, _K)),
        ],
        out_specs=pl.BlockSpec((_T, 1), lambda i: (i, 0)),
        out_shape=jax.ShapeDtypeStruct((n, 1), jnp.int32),
    )(x2, W_e1, b_e1, W_e2, b_e2, cbt)


@functools.cache
def _make_sc_gather(n):
    bpw = n // _NW
    nch = bpw // _CH

    @functools.partial(
        pl.kernel,
        mesh=plsc.VectorSubcoreMesh(core_axis_name="c", subcore_axis_name="s"),
        out_type=jax.ShapeDtypeStruct((n, _DP), jnp.float32),
        scratch_types=[
            pltpu.VMEM((bpw,), jnp.int32),
            pltpu.VMEM((_CH, _DP), jnp.float32),
            pltpu.VMEM((_CH, _DP), jnp.float32),
            pltpu.SemaphoreType.DMA,
            pltpu.SemaphoreType.DMA,
            pltpu.SemaphoreType.DMA,
            pltpu.SemaphoreType.DMA,
        ],
    )
    def _sc_gather(tbl_hbm, idx_hbm, out_hbm, idx_v, rows_a, rows_b,
                   gsem_a, gsem_b, wsem_a, wsem_b):
        wid = lax.axis_index("s") * _NC + lax.axis_index("c")
        base = wid * bpw
        pltpu.sync_copy(idx_hbm.at[pl.ds(base, bpw)], idx_v)

        rows = (rows_a, rows_b)
        gsem = (gsem_a, gsem_b)
        wsem = (wsem_a, wsem_b)

        def fire_gathers(k, s):
            hs = []
            for p in range(_NIG):
                off = k * _CH + p * _IG
                hs.append(pltpu.async_copy(
                    tbl_hbm.at[idx_v.at[pl.ds(off, _IG)]],
                    rows[s].at[pl.ds(p * _IG, _IG)], gsem[s]))
            return hs

        gh = [None, None]
        wh = [None, None]
        for k in range(nch):
            s = k % 2
            if wh[s] is not None:
                wh[s].wait()
            gh[s] = fire_gathers(k, s)
            if k > 0:
                o = 1 - s
                for h in gh[o]:
                    h.wait()
                wh[o] = pltpu.async_copy(
                    rows[o], out_hbm.at[pl.ds(base + (k - 1) * _CH, _CH)],
                    wsem[o])
        s_last = (nch - 1) % 2
        for h in gh[s_last]:
            h.wait()
        wh[s_last] = pltpu.async_copy(
            rows[s_last], out_hbm.at[pl.ds(base + (nch - 1) * _CH, _CH)],
            wsem[s_last])
        wh[0].wait()
        wh[1].wait()

    return _sc_gather


_P = 2


def kernel(x, W_e1, b_e1, W_e2, b_e2, codebook, W_d1, b_d1, W_d2, b_d2):
    x2 = x.reshape(_BN, _D0)
    part = _BN // _P
    w_d2p = jnp.pad(W_d2, ((0, 0), (0, _DP - _D0)))
    b_d2p = jnp.pad(b_d2, (0, _DP - _D0)).reshape(1, _DP)
    tbl = _table(codebook, W_d1, b_d1.reshape(1, _D1), w_d2p, b_d2p)
    gather = _make_sc_gather(part)
    outs = []
    for ph in range(_P):
        idx = _encode(x2, W_e1, b_e1.reshape(1, _D1), W_e2,
                      b_e2.reshape(1, _D2), codebook.T,
                      ph * (part // _T), part)
        outs.append(gather(tbl, idx.reshape(part)))
    out = jnp.concatenate(outs, axis=0)[:, :_D0]
    return out.reshape(_B, _N, _D0)

# --- scband reference (transcript-rebuilt; emitter-appended) ---
"""Pipeline reference for scband-rqautoencoder-9706626089261 (READ-ONLY COPY).

The authoritative reference and input builder live on the scoring server;
editing this copy changes nothing except your own understanding.
"""

import jax, jax.numpy as jnp
import numpy as np


def setup_inputs(seed: int = 0) -> dict:
    key = jax.random.key(seed)
    ks = jax.random.split(key, 12)
    B, N = 128, 1024
    d0, d1, d2 = 96, 64, 32
    K = 512
    x = jax.random.normal(ks[0], (B, N, d0), dtype=jnp.float32)
    # encoder params (Linear d0->d1, ReLU, Linear d1->d2)
    W_e1 = jax.random.normal(ks[1], (d0, d1), dtype=jnp.float32) * (1.0 / np.sqrt(d0))
    b_e1 = jnp.zeros((d1,), dtype=jnp.float32)
    W_e2 = jax.random.normal(ks[2], (d1, d2), dtype=jnp.float32) * (1.0 / np.sqrt(d1))
    b_e2 = jnp.zeros((d2,), dtype=jnp.float32)
    # VQ codebook [K, d2]
    codebook = jax.random.normal(ks[3], (K, d2), dtype=jnp.float32)
    # decoder params (Linear d2->d1, ReLU, Linear d1->d0)
    W_d1 = jax.random.normal(ks[4], (d2, d1), dtype=jnp.float32) * (1.0 / np.sqrt(d2))
    b_d1 = jnp.zeros((d1,), dtype=jnp.float32)
    W_d2 = jax.random.normal(ks[5], (d1, d0), dtype=jnp.float32) * (1.0 / np.sqrt(d1))
    b_d2 = jnp.zeros((d0,), dtype=jnp.float32)
    return {"x": x, "W_e1": W_e1, "b_e1": b_e1, "W_e2": W_e2, "b_e2": b_e2,
            "codebook": codebook, "W_d1": W_d1, "b_d1": b_d1, "W_d2": W_d2, "b_d2": b_d2}


def reference(x, W_e1, b_e1, W_e2, b_e2, codebook, W_d1, b_d1, W_d2, b_d2):
    # encoder
    h = jax.nn.relu(jnp.dot(x, W_e1) + b_e1)
    z = jnp.dot(h, W_e2) + b_e2
    # vector quantize (euclidean nearest-neighbor)
    z2 = jnp.sum(z * z, axis=-1, keepdims=True)            # [B, N, 1]
    cb2 = jnp.sum(codebook * codebook, axis=-1)            # [K]
    dist = z2 - 2.0 * jnp.dot(z, codebook.T) + cb2         # [B, N, K]
    indices = jnp.argmin(dist, axis=-1)                    # [B, N]
    quantized = jnp.take(codebook, indices, axis=0)        # [B, N, d2] gather
    # straight-through estimator
    q_st = z + jax.lax.stop_gradient(quantized - z)
    commit_loss = jnp.mean((jax.lax.stop_gradient(quantized) - z) ** 2) * 1.0
    # decoder
    h2 = jax.nn.relu(jnp.dot(q_st, W_d1) + b_d1)
    out = jnp.dot(h2, W_d2) + b_d2
    return out

if __name__ == "__main__":
    import jax
    _d = setup_inputs()
    print(jax.jit(kernel)(*tuple(_d.values())))

</pallas_src>

<mosaic_0001>
#map = affine_map<(d0, d1) -> (0, 0)>
#map1 = affine_map<(d0, d1) -> (0)>
module attributes {stable_mosaic.version = 14 : i64} {
  func.func @_sc_gather(%arg0: i32, %arg1: i32, %arg2: memref<16384x128xf32, #tpu.memory_space<hbm>>, %arg3: memref<65536xi32, #tpu.memory_space<hbm>>, %arg4: memref<65536x128xf32, #tpu.memory_space<hbm>>, %arg5: memref<2048xi32, #tpu.memory_space<vmem>>, %arg6: memref<256x128xf32, #tpu.memory_space<vmem>>, %arg7: memref<256x128xf32, #tpu.memory_space<vmem>>, %arg8: memref<!tpu.dma_semaphore, #tpu.memory_space<semaphore_mem>>, %arg9: memref<!tpu.dma_semaphore, #tpu.memory_space<semaphore_mem>>, %arg10: memref<!tpu.dma_semaphore, #tpu.memory_space<semaphore_mem>>, %arg11: memref<!tpu.dma_semaphore, #tpu.memory_space<semaphore_mem>>) attributes {dimension_semantics = [#tpu.dimension_semantics<core_parallel>, #tpu.dimension_semantics<subcore_parallel>], iteration_bounds = array<i64: 2, 16>, scalar_prefetch = 0 : i64, scratch_operands = 7 : i64, tpu.core_type = #tpu.core_type<sc_vector_subcore>, window_params = [{transform_indices = #map}, {transform_indices = #map1}, {transform_indices = #map}]} {
    %mul3A = arith.constant 2 : i32
    %mul3A_0 = arith.muli %arg1, %mul3A : i32
    %add3A = arith.addi %mul3A_0, %arg0 : i32
    %mul3A_1 = arith.constant 2048 : i32
    %mul3A_2 = arith.muli %add3A, %mul3A_1 : i32
    "tpu.region"() ({
      %run_scoped3A = tpu.sem_alloc : memref<!tpu.dma_semaphore, #tpu.memory_space<semaphore_mem>>
      %dma_start3A_209 = tpu.memref_slice %arg3[%mul3A_2] : memref<65536xi32, #tpu.memory_space<hbm>> -> memref<2048xi32, #tpu.memory_space<hbm>>
      %dma_start3A_210 = tpu.memref_slice %arg3[%mul3A_2] : memref<65536xi32, #tpu.memory_space<hbm>> -> memref<2048xi32, #tpu.memory_space<hbm>>
      tpu.enqueue_dma source(%dma_start3A_210 : memref<2048xi32, #tpu.memory_space<hbm>>) target(%arg5 : memref<2048xi32, #tpu.memory_space<vmem>>) target_semaphore(%run_scoped3A : memref<!tpu.dma_semaphore, #tpu.memory_space<semaphore_mem>>)
      %dma_wait3A_211 = tpu.memref_slice %arg3[%mul3A_2] : memref<65536xi32, #tpu.memory_space<hbm>> -> memref<2048xi32, #tpu.memory_space<hbm>>
      %dma_wait3A_212 = tpu.memref_slice %arg3[%mul3A_2] : memref<65536xi32, #tpu.memory_space<hbm>> -> memref<2048xi32, #tpu.memory_space<hbm>>
      tpu.wait_dma2 semaphore(%run_scoped3A : memref<!tpu.dma_semaphore, #tpu.memory_space<semaphore_mem>>) src(%dma_wait3A_212 : memref<2048xi32, #tpu.memory_space<hbm>>) dst(%arg5 : memref<2048xi32, #tpu.memory_space<vmem>>)
      tpu.yield
    }) : () -> ()
    %dma_start3A = arith.constant 0 : i32
    %dma_start3A_3 = arith.constant 0 : i32
    %dma_start3A_4 = tpu.memref_slice %arg6[%dma_start3A, %dma_start3A_3] : memref<256x128xf32, #tpu.memory_space<vmem>> -> memref<256x128xf32, #tpu.memory_space<vmem>>
    %dma_start3A_5 = arith.constant 0 : i32
    %dma_start3A_6 = tpu.memref_slice %arg5[%dma_start3A_5] : memref<2048xi32, #tpu.memory_space<vmem>> -> memref<256xi32, #tpu.memory_space<vmem>>
    %dma_start3A_7 = arith.constant 0 : i32
    %dma_start3A_8 = arith.constant 0 : i32
    %dma_start3A_9 = tpu.memref_slice %arg2[%dma_start3A_7, %dma_start3A_8] : memref<16384x128xf32, #tpu.memory_space<hbm>> -> memref<16384x128xf32, #tpu.memory_space<hbm>>
    tpu.enqueue_indirect_dma source(%dma_start3A_9 : memref<16384x128xf32, #tpu.memory_space<hbm>>) target(%dma_start3A_4 : memref<256x128xf32, #tpu.memory_space<vmem>>) offsets(%dma_start3A_6 : memref<256xi32, #tpu.memory_space<vmem>>) semaphore(%arg8 : memref<!tpu.dma_semaphore, #tpu.memory_space<semaphore_mem>>)
    %dma_start3A_10 = arith.constant 0 : i32
    %dma_start3A_11 = arith.constant 0 : i32
    %dma_start3A_12 = tpu.memref_slice %arg7[%dma_start3A_10, %dma_start3A_11] : memref<256x128xf32, #tpu.memory_space<vmem>> -> memref<256x128xf32, #tpu.memory_space<vmem>>
    %dma_start3A_13 = arith.constant 256 : i32
    %dma_start3A_14 = tpu.memref_slice %arg5[%dma_start3A_13] : memref<2048xi32, #tpu.memory_space<vmem>> -> memref<256xi32, #tpu.memory_space<vmem>>
    %dma_start3A_15 = arith.constant 0 : i32
    %dma_start3A_16 = arith.constant 0 : i32
    %dma_start3A_17 = tpu.memref_slice %arg2[%dma_start3A_15, %dma_start3A_16] : memref<16384x128xf32, #tpu.memory_space<hbm>> -> memref<16384x128xf32, #tpu.memory_space<hbm>>
    tpu.enqueue_indirect_dma source(%dma_start3A_17 : memref<16384x128xf32, #tpu.memory_space<hbm>>) target(%dma_start3A_12 : memref<256x128xf32, #tpu.memory_space<vmem>>) offsets(%dma_start3A_14 : memref<256xi32, #tpu.memory_space<vmem>>) semaphore(%arg9 : memref<!tpu.dma_semaphore, #tpu.memory_space<semaphore_mem>>)
    %dma_wait3A = arith.constant 0 : i32
    %dma_wait3A_18 = arith.constant 0 : i32
    %dma_wait3A_19 = tpu.memref_slice %arg6[%dma_wait3A, %dma_wait3A_18] : memref<256x128xf32, #tpu.memory_space<vmem>> -> memref<256x128xf32, #tpu.memory_space<vmem>>
    %dma_wait3A_20 = arith.constant 0 : i32
    %dma_wait3A_21 = tpu.memref_slice %arg5[%dma_wait3A_20] : memref<2048xi32, #tpu.memory_space<vmem>> -> memref<256xi32, #tpu.memory_space<vmem>>
    %dma_wait3A_22 = arith.constant 0 : i32
    %dma_wait3A_23 = arith.constant 0 : i32
    %dma_wait3A_24 = tpu.memref_slice %arg2[%dma_wait3A_22, %dma_wait3A_23] : memref<16384x128xf32, #tpu.memory_space<hbm>> -> memref<16384x128xf32, #tpu.memory_space<hbm>>
    tpu.wait_indirect_dma semaphore(%arg8 : memref<!tpu.dma_semaphore, #tpu.memory_space<semaphore_mem>>) src(%dma_wait3A_24 : memref<16384x128xf32, #tpu.memory_space<hbm>>) dst(%dma_wait3A_19 : memref<256x128xf32, #tpu.memory_space<vmem>>)
    %add3A_25 = arith.constant 0 : i32
    %add3A_26 = arith.addi %mul3A_2, %add3A_25 : i32
    %dma_start3A_27 = arith.constant 0 : i32
    %dma_start3A_28 = tpu.memref_slice %arg4[%add3A_26, %dma_start3A_27] : memref<65536x128xf32, #tpu.memory_space<hbm>> -> memref<256x128xf32, #tpu.memory_space<hbm>>
    %dma_start3A_29 = arith.constant 0 : i32
    %dma_start3A_30 = tpu.memref_slice %arg4[%add3A_26, %dma_start3A_29] : memref<65536x128xf32, #tpu.memory_space<hbm>> -> memref<256x128xf32, #tpu.memory_space<hbm>>
    tpu.enqueue_dma source(%arg6 : memref<256x128xf32, #tpu.memory_space<vmem>>) target(%dma_start3A_30 : memref<256x128xf32, #tpu.memory_space<hbm>>) target_semaphore(%arg10 : memref<!tpu.dma_semaphore, #tpu.memory_space<semaphore_mem>>)
    %dma_wait3A_31 = arith.constant 0 : i32
    %dma_wait3A_32 = tpu.memref_slice %arg4[%add3A_26, %dma_wait3A_31] : memref<65536x128xf32, #tpu.memory_space<hbm>> -> memref<256x128xf32, #tpu.memory_space<hbm>>
    %dma_wait3A_33 = arith.constant 0 : i32
    %dma_wait3A_34 = tpu.memref_slice %arg4[%add3A_26, %dma_wait3A_33] : memref<65536x128xf32, #tpu.memory_space<hbm>> -> memref<256x128xf32, #tpu.memory_space<hbm>>
    tpu.wait_dma2 semaphore(%arg10 : memref<!tpu.dma_semaphore, #tpu.memory_space<semaphore_mem>>) src(%arg6 : memref<256x128xf32, #tpu.memory_space<vmem>>) dst(%dma_wait3A_34 : memref<256x128xf32, #tpu.memory_space<hbm>>)
    %dma_start3A_35 = arith.constant 0 : i32
    %dma_start3A_36 = arith.constant 0 : i32
    %dma_start3A_37 = tpu.memref_slice %arg6[%dma_start3A_35, %dma_start3A_36] : memref<256x128xf32, #tpu.memory_space<vmem>> -> memref<256x128xf32, #tpu.memory_space<vmem>>
    %dma_start3A_38 = arith.constant 512 : i32
    %dma_start3A_39 = tpu.memref_slice %arg5[%dma_start3A_38] : memref<2048xi32, #tpu.memory_space<vmem>> -> memref<256xi32, #tpu.memory_space<vmem>>
    %dma_start3A_40 = arith.constant 0 : i32
    %dma_start3A_41 = arith.constant 0 : i32
    %dma_start3A_42 = tpu.memref_slice %arg2[%dma_start3A_40, %dma_start3A_41] : memref<16384x128xf32, #tpu.memory_space<hbm>> -> memref<16384x128xf32, #tpu.memory_space<hbm>>
    tpu.enqueue_indirect_dma source(%dma_start3A_42 : memref<16384x128xf32, #tpu.memory_space<hbm>>) target(%dma_start3A_37 : memref<256x128xf32, #tpu.memory_space<vmem>>) offsets(%dma_start3A_39 : memref<256xi32, #tpu.memory_space<vmem>>) semaphore(%arg8 : memref<!tpu.dma_semaphore, #tpu.memory_space<semaphore_mem>>)
    %dma_wait3A_43 = arith.constant 0 : i32
    %dma_wait3A_44 = arith.constant 0 : i32
    %dma_wait3A_45 = tpu.memref_slice %arg7[%dma_wait3A_43, %dma_wait3A_44] : memref<256x128xf32, #tpu.memory_space<vmem>> -> memref<256x128xf32, #tpu.memory_space<vmem>>
    %dma_wait3A_46 = arith.constant 256 : i32
    %dma_wait3A_47 = tpu.memref_slice %arg5[%dma_wait3A_46] : memref<2048xi32, #tpu.memory_space<vmem>> -> memref<256xi32, #tpu.memory_space<vmem>>
    %dma_wait3A_48 = arith.constant 0 : i32
    %dma_wait3A_49 = arith.constant 0 : i32
    %dma_wait3A_50 = tpu.memref_slice %arg2[%dma_wait3A_48, %dma_wait3A_49] : memref<16384x128xf32, #tpu.memory_space<hbm>> -> memref<16384x128xf32, #tpu.memory_space<hbm>>
    tpu.wait_indirect_dma semaphore(%arg9 : memref<!tpu.dma_semaphore, #tpu.memory_space<semaphore_mem>>) src(%dma_wait3A_50 : memref<16384x128xf32, #tpu.memory_space<hbm>>) dst(%dma_wait3A_45 : memref<256x128xf32, #tpu.memory_space<vmem>>)
    %add3A_51 = arith.constant 256 : i32
    %add3A_52 = arith.addi %mul3A_2, %add3A_51 : i32
    %dma_start3A_53 = arith.constant 0 : i32
    %dma_start3A_54 = tpu.memref_slice %arg4[%add3A_52, %dma_start3A_53] : memref<65536x128xf32, #tpu.memory_space<hbm>> -> memref<256x128xf32, #tpu.memory_space<hbm>>
    %dma_start3A_55 = arith.constant 0 : i32
    %dma_start3A_56 = tpu.memref_slice %arg4[%add3A_52, %dma_start3A_55] : memref<65536x128xf32, #tpu.memory_space<hbm>> -> memref<256x128xf32, #tpu.memory_space<hbm>>
    tpu.enqueue_dma source(%arg7 : memref<256x128xf32, #tpu.memory_space<vmem>>) target(%dma_start3A_56 : memref<256x128xf32, #tpu.memory_space<hbm>>) target_semaphore(%arg11 : memref<!tpu.dma_semaphore, #tpu.memory_space<semaphore_mem>>)
    %dma_wait3A_57 = arith.constant 0 : i32
    %dma_wait3A_58 = tpu.memref_slice %arg4[%add3A_52, %dma_wait3A_57] : memref<65536x128xf32, #tpu.memory_space<hbm>> -> memref<256x128xf32, #tpu.memory_space<hbm>>
    %dma_wait3A_59 = arith.constant 0 : i32
    %dma_wait3A_60 = tpu.memref_slice %arg4[%add3A_52, %dma_wait3A_59] : memref<65536x128xf32, #tpu.memory_space<hbm>> -> memref<256x128xf32, #tpu.memory_space<hbm>>
    tpu.wait_dma2 semaphore(%arg11 : memref<!tpu.dma_semaphore, #tpu.memory_space<semaphore_mem>>) src(%arg7 : memref<256x128xf32, #tpu.memory_space<vmem>>) dst(%dma_wait3A_60 : memref<256x128xf32, #tpu.memory_space<hbm>>)
    %dma_start3A_61 = arith.constant 0 : i32
    %dma_start3A_62 = arith.constant 0 : i32
    %dma_start3A_63 = tpu.memref_slice %arg7[%dma_start3A_61, %dma_start3A_62] : memref<256x128xf32, #tpu.memory_space<vmem>> -> memref<256x128xf32, #tpu.memory_space<vmem>>
    %dma_start3A_64 = arith.constant 768 : i32
    %dma_start3A_65 = tpu.memref_slice %arg5[%dma_start3A_64] : memref<2048xi32, #tpu.memory_space<vmem>> -> memref<256xi32, #tpu.memory_space<vmem>>
    %dma_start3A_66 = arith.constant 0 : i32
    %dma_start3A_67 = arith.constant 0 : i32
    %dma_start3A_68 = tpu.memref_slice %arg2[%dma_start3A_66, %dma_start3A_67] : memref<16384x128xf32, #tpu.memory_space<hbm>> -> memref<16384x128xf32, #tpu.memory_space<hbm>>
    tpu.enqueue_indirect_dma source(%dma_start3A_68 : memref<16384x128xf32, #tpu.memory_space<hbm>>) target(%dma_start3A_63 : memref<256x128xf32, #tpu.memory_space<vmem>>) offsets(%dma_start3A_65 : memref<256xi32, #tpu.memory_space<vmem>>) semaphore(%arg9 : memref<!tpu.dma_semaphore, #tpu.memory_space<semaphore_mem>>)
    %dma_wait3A_69 = arith.constant 0 : i32
    %dma_wait3A_70 = arith.constant 0 : i32
    %dma_wait3A_71 = tpu.memref_slice %arg6[%dma_wait3A_69, %dma_wait3A_70] : memref<256x128xf32, #tpu.memory_space<vmem>> -> memref<256x128xf32, #tpu.memory_space<vmem>>
    %dma_wait3A_72 = arith.constant 512 : i32
    %dma_wait3A_73 = tpu.memref_slice %arg5[%dma_wait3A_72] : memref<2048xi32, #tpu.memory_space<vmem>> -> memref<256xi32, #tpu.memory_space<vmem>>
    %dma_wait3A_74 = arith.constant 0 : i32
    %dma_wait3A_75 = arith.constant 0 : i32
    %dma_wait3A_76 = tpu.memref_slice %arg2[%dma_wait3A_74, %dma_wait3A_75] : memref<16384x128xf32, #tpu.memory_space<hbm>> -> memref<16384x128xf32, #tpu.memory_space<hbm>>
    tpu.wait_indirect_dma semaphore(%arg8 : memref<!tpu.dma_semaphore, #tpu.memory_space<semaphore_mem>>) src(%dma_wait3A_76 : memref<16384x128xf32, #tpu.memory_space<hbm>>) dst(%dma_wait3A_71 : memref<256x128xf32, #tpu.memory_space<vmem>>)
    %add3A_77 = arith.constant 512 : i32
    %add3A_78 = arith.addi %mul3A_2, %add3A_77 : i32
    %dma_start3A_79 = arith.constant 0 : i32
    %dma_start3A_80 = tpu.memref_slice %arg4[%add3A_78, %dma_start3A_79] : memref<65536x128xf32, #tpu.memory_space<hbm>> -> memref<256x128xf32, #tpu.memory_space<hbm>>
    %dma_start3A_81 = arith.constant 0 : i32
    %dma_start3A_82 = tpu.memref_slice %arg4[%add3A_78, %dma_start3A_81] : memref<65536x128xf32, #tpu.memory_space<hbm>> -> memref<256x128xf32, #tpu.memory_space<hbm>>
    tpu.enqueue_dma source(%arg6 : memref<256x128xf32, #tpu.memory_space<vmem>>) target(%dma_start3A_82 : memref<256x128xf32, #tpu.memory_space<hbm>>) target_semaphore(%arg10 : memref<!tpu.dma_semaphore, #tpu.memory_space<semaphore_mem>>)
    %dma_wait3A_83 = arith.constant 0 : i32
    %dma_wait3A_84 = tpu.memref_slice %arg4[%add3A_78, %dma_wait3A_83] : memref<65536x128xf32, #tpu.memory_space<hbm>> -> memref<256x128xf32, #tpu.memory_space<hbm>>
    %dma_wait3A_85 = arith.constant 0 : i32
    %dma_wait3A_86 = tpu.memref_slice %arg4[%add3A_78, %dma_wait3A_85] : memref<65536x128xf32, #tpu.memory_space<hbm>> -> memref<256x128xf32, #tpu.memory_space<hbm>>
    tpu.wait_dma2 semaphore(%arg10 : memref<!tpu.dma_semaphore, #tpu.memory_space<semaphore_mem>>) src(%arg6 : memref<256x128xf32, #tpu.memory_space<vmem>>) dst(%dma_wait3A_86 : memref<256x128xf32, #tpu.memory_space<hbm>>)
    %dma_start3A_87 = arith.constant 0 : i32
    %dma_start3A_88 = arith.constant 0 : i32
    %dma_start3A_89 = tpu.memref_slice %arg6[%dma_start3A_87, %dma_start3A_88] : memref<256x128xf32, #tpu.memory_space<vmem>> -> memref<256x128xf32, #tpu.memory_space<vmem>>
    %dma_start3A_90 = arith.constant 1024 : i32
    %dma_start3A_91 = tpu.memref_slice %arg5[%dma_start3A_90] : memref<2048xi32, #tpu.memory_space<vmem>> -> memref<256xi32, #tpu.memory_space<vmem>>
    %dma_start3A_92 = arith.constant 0 : i32
    %dma_start3A_93 = arith.constant 0 : i32
    %dma_start3A_94 = tpu.memref_slice %arg2[%dma_start3A_92, %dma_start3A_93] : memref<16384x128xf32, #tpu.memory_space<hbm>> -> memref<16384x128xf32, #tpu.memory_space<hbm>>
    tpu.enqueue_indirect_dma source(%dma_start3A_94 : memref<16384x128xf32, #tpu.memory_space<hbm>>) target(%dma_start3A_89 : memref<256x128xf32, #tpu.memory_space<vmem>>) offsets(%dma_start3A_91 : memref<256xi32, #tpu.memory_space<vmem>>) semaphore(%arg8 : memref<!tpu.dma_semaphore, #tpu.memory_space<semaphore_mem>>)
    %dma_wait3A_95 = arith.constant 0 : i32
    %dma_wait3A_96 = arith.constant 0 : i32
    %dma_wait3A_97 = tpu.memref_slice %arg7[%dma_wait3A_95, %dma_wait3A_96] : memref<256x128xf32, #tpu.memory_space<vmem>> -> memref<256x128xf32, #tpu.memory_space<vmem>>
    %dma_wait3A_98 = arith.constant 768 : i32
    %dma_wait3A_99 = tpu.memref_slice %arg5[%dma_wait3A_98] : memref<2048xi32, #tpu.memory_space<vmem>> -> memref<256xi32, #tpu.memory_space<vmem>>
    %dma_wait3A_100 = arith.constant 0 : i32
    %dma_wait3A_101 = arith.constant 0 : i32
    %dma_wait3A_102 = tpu.memref_slice %arg2[%dma_wait3A_100, %dma_wait3A_101] : memref<16384x128xf32, #tpu.memory_space<hbm>> -> memref<16384x128xf32, #tpu.memory_space<hbm>>
    tpu.wait_indirect_dma semaphore(%arg9 : memref<!tpu.dma_semaphore, #tpu.memory_space<semaphore_mem>>) src(%dma_wait3A_102 : memref<16384x128xf32, #tpu.memory_space<hbm>>) dst(%dma_wait3A_97 : memref<256x128xf32, #tpu.memory_space<vmem>>)
    %add3A_103 = arith.constant 768 : i32
    %add3A_104 = arith.addi %mul3A_2, %add3A_103 : i32
    %dma_start3A_105 = arith.constant 0 : i32
    %dma_start3A_106 = tpu.memref_slice %arg4[%add3A_104, %dma_start3A_105] : memref<65536x128xf32, #tpu.memory_space<hbm>> -> memref<256x128xf32, #tpu.memory_space<hbm>>
    %dma_start3A_107 = arith.constant 0 : i32
    %dma_start3A_108 = tpu.memref_slice %arg4[%add3A_104, %dma_start3A_107] : memref<65536x128xf32, #tpu.memory_space<hbm>> -> memref<256x128xf32, #tpu.memory_space<hbm>>
    tpu.enqueue_dma source(%arg7 : memref<256x128xf32, #tpu.memory_space<vmem>>) target(%dma_start3A_108 : memref<256x128xf32, #tpu.memory_space<hbm>>) target_semaphore(%arg11 : memref<!tpu.dma_semaphore, #tpu.memory_space<semaphore_mem>>)
    %dma_wait3A_109 = arith.constant 0 : i32
    %dma_wait3A_110 = tpu.memref_slice %arg4[%add3A_104, %dma_wait3A_109] : memref<65536x128xf32, #tpu.memory_space<hbm>> -> memref<256x128xf32, #tpu.memory_space<hbm>>
    %dma_wait3A_111 = arith.constant 0 : i32
    %dma_wait3A_112 = tpu.memref_slice %arg4[%add3A_104, %dma_wait3A_111] : memref<65536x128xf32, #tpu.memory_space<hbm>> -> memref<256x128xf32, #tpu.memory_space<hbm>>
    tpu.wait_dma2 semaphore(%arg11 : memref<!tpu.dma_semaphore, #tpu.memory_space<semaphore_mem>>) src(%arg7 : memref<256x128xf32, #tpu.memory_space<vmem>>) dst(%dma_wait3A_112 : memref<256x128xf32, #tpu.memory_space<hbm>>)
    %dma_start3A_113 = arith.constant 0 : i32
    %dma_start3A_114 = arith.constant 0 : i32
    %dma_start3A_115 = tpu.memref_slice %arg7[%dma_start3A_113, %dma_start3A_114] : memref<256x128xf32, #tpu.memory_space<vmem>> -> memref<256x128xf32, #tpu.memory_space<vmem>>
    %dma_start3A_116 = arith.constant 1280 : i32
    %dma_start3A_117 = tpu.memref_slice %arg5[%dma_start3A_116] : memref<2048xi32, #tpu.memory_space<vmem>> -> memref<256xi32, #tpu.memory_space<vmem>>
    %dma_start3A_118 = arith.constant 0 : i32
    %dma_start3A_119 = arith.constant 0 : i32
    %dma_start3A_120 = tpu.memref_slice %arg2[%dma_start3A_118, %dma_start3A_119] : memref<16384x128xf32, #tpu.memory_space<hbm>> -> memref<16384x128xf32, #tpu.memory_space<hbm>>
    tpu.enqueue_indirect_dma source(%dma_start3A_120 : memref<16384x128xf32, #tpu.memory_space<hbm>>) target(%dma_start3A_115 : memref<256x128xf32, #tpu.memory_space<vmem>>) offsets(%dma_start3A_117 : memref<256xi32, #tpu.memory_space<vmem>>) semaphore(%arg9 : memref<!tpu.dma_semaphore, #tpu.memory_space<semaphore_mem>>)
    %dma_wait3A_121 = arith.constant 0 : i32
    %dma_wait3A_122 = arith.constant 0 : i32
    %dma_wait3A_123 = tpu.memref_slice %arg6[%dma_wait3A_121, %dma_wait3A_122] : memref<256x128xf32, #tpu.memory_space<vmem>> -> memref<256x128xf32, #tpu.memory_space<vmem>>
    %dma_wait3A_124 = arith.constant 1024 : i32
    %dma_wait3A_125 = tpu.memref_slice %arg5[%dma_wait3A_124] : memref<2048xi32, #tpu.memory_space<vmem>> -> memref<256xi32, #tpu.memory_space<vmem>>
    %dma_wait3A_126 = arith.constant 0 : i32
    %dma_wait3A_127 = arith.constant 0 : i32
    %dma_wait3A_128 = tpu.memref_slice %arg2[%dma_wait3A_126, %dma_wait3A_127] : memref<16384x128xf32, #tpu.memory_space<hbm>> -> memref<16384x128xf32, #tpu.memory_space<hbm>>
    tpu.wait_indirect_dma semaphore(%arg8 : memref<!tpu.dma_semaphore, #tpu.memory_space<semaphore_mem>>) src(%dma_wait3A_128 : memref<16384x128xf32, #tpu.memory_space<hbm>>) dst(%dma_wait3A_123 : memref<256x128xf32, #tpu.memory_space<vmem>>)
    %add3A_129 = arith.constant 1024 : i32
    %add3A_130 = arith.addi %mul3A_2, %add3A_129 : i32
    %dma_start3A_131 = arith.constant 0 : i32
    %dma_start3A_132 = tpu.memref_slice %arg4[%add3A_130, %dma_start3A_131] : memref<65536x128xf32, #tpu.memory_space<hbm>> -> memref<256x128xf32, #tpu.memory_space<hbm>>
    %dma_start3A_133 = arith.constant 0 : i32
    %dma_start3A_134 = tpu.memref_slice %arg4[%add3A_130, %dma_start3A_133] : memref<65536x128xf32, #tpu.memory_space<hbm>> -> memref<256x128xf32, #tpu.memory_space<hbm>>
    tpu.enqueue_dma source(%arg6 : memref<256x128xf32, #tpu.memory_space<vmem>>) target(%dma_start3A_134 : memref<256x128xf32, #tpu.memory_space<hbm>>) target_semaphore(%arg10 : memref<!tpu.dma_semaphore, #tpu.memory_space<semaphore_mem>>)
    %dma_wait3A_135 = arith.constant 0 : i32
    %dma_wait3A_136 = tpu.memref_slice %arg4[%add3A_130, %dma_wait3A_135] : memref<65536x128xf32, #tpu.memory_space<hbm>> -> memref<256x128xf32, #tpu.memory_space<hbm>>
    %dma_wait3A_137 = arith.constant 0 : i32
    %dma_wait3A_138 = tpu.memref_slice %arg4[%add3A_130, %dma_wait3A_137] : memref<65536x128xf32, #tpu.memory_space<hbm>> -> memref<256x128xf32, #tpu.memory_space<hbm>>
    tpu.wait_dma2 semaphore(%arg10 : memref<!tpu.dma_semaphore, #tpu.memory_space<semaphore_mem>>) src(%arg6 : memref<256x128xf32, #tpu.memory_space<vmem>>) dst(%dma_wait3A_138 : memref<256x128xf32, #tpu.memory_space<hbm>>)
    %dma_start3A_139 = arith.constant 0 : i32
    %dma_start3A_140 = arith.constant 0 : i32
    %dma_start3A_141 = tpu.memref_slice %arg6[%dma_start3A_139, %dma_start3A_140] : memref<256x128xf32, #tpu.memory_space<vmem>> -> memref<256x128xf32, #tpu.memory_space<vmem>>
    %dma_start3A_142 = arith.constant 1536 : i32
    %dma_start3A_143 = tpu.memref_slice %arg5[%dma_start3A_142] : memref<2048xi32, #tpu.memory_space<vmem>> -> memref<256xi32, #tpu.memory_space<vmem>>
    %dma_start3A_144 = arith.constant 0 : i32
    %dma_start3A_145 = arith.constant 0 : i32
    %dma_start3A_146 = tpu.memref_slice %arg2[%dma_start3A_144, %dma_start3A_145] : memref<16384x128xf32, #tpu.memory_space<hbm>> -> memref<16384x128xf32, #tpu.memory_space<hbm>>
    tpu.enqueue_indirect_dma source(%dma_start3A_146 : memref<16384x128xf32, #tpu.memory_space<hbm>>) target(%dma_start3A_141 : memref<256x128xf32, #tpu.memory_space<vmem>>) offsets(%dma_start3A_143 : memref<256xi32, #tpu.memory_space<vmem>>) semaphore(%arg8 : memref<!tpu.dma_semaphore, #tpu.memory_space<semaphore_mem>>)
    %dma_wait3A_147 = arith.constant 0 : i32
    %dma_wait3A_148 = arith.constant 0 : i32
    %dma_wait3A_149 = tpu.memref_slice %arg7[%dma_wait3A_147, %dma_wait3A_148] : memref<256x128xf32, #tpu.memory_space<vmem>> -> memref<256x128xf32, #tpu.memory_space<vmem>>
    %dma_wait3A_150 = arith.constant 1280 : i32
    %dma_wait3A_151 = tpu.memref_slice %arg5[%dma_wait3A_150] : memref<2048xi32, #tpu.memory_space<vmem>> -> memref<256xi32, #tpu.memory_space<vmem>>
    %dma_wait3A_152 = arith.constant 0 : i32
    %dma_wait3A_153 = arith.constant 0 : i32
    %dma_wait3A_154 = tpu.memref_slice %arg2[%dma_wait3A_152, %dma_wait3A_153] : memref<16384x128xf32, #tpu.memory_space<hbm>> -> memref<16384x128xf32, #tpu.memory_space<hbm>>
    tpu.wait_indirect_dma semaphore(%arg9 : memref<!tpu.dma_semaphore, #tpu.memory_space<semaphore_mem>>) src(%dma_wait3A_154 : memref<16384x128xf32, #tpu.memory_space<hbm>>) dst(%dma_wait3A_149 : memref<256x128xf32, #tpu.memory_space<vmem>>)
    %add3A_155 = arith.constant 1280 : i32
    %add3A_156 = arith.addi %mul3A_2, %add3A_155 : i32
    %dma_start3A_157 = arith.constant 0 : i32
    %dma_start3A_158 = tpu.memref_slice %arg4[%add3A_156, %dma_start3A_157] : memref<65536x128xf32, #tpu.memory_space<hbm>> -> memref<256x128xf32, #tpu.memory_space<hbm>>
    %dma_start3A_159 = arith.constant 0 : i32
    %dma_start3A_160 = tpu.memref_slice %arg4[%add3A_156, %dma_start3A_159] : memref<65536x128xf32, #tpu.memory_space<hbm>> -> memref<256x128xf32, #tpu.memory_space<hbm>>
    tpu.enqueue_dma source(%arg7 : memref<256x128xf32, #tpu.memory_space<vmem>>) target(%dma_start3A_160 : memref<256x128xf32, #tpu.memory_space<hbm>>) target_semaphore(%arg11 : memref<!tpu.dma_semaphore, #tpu.memory_space<semaphore_mem>>)
    %dma_wait3A_161 = arith.constant 0 : i32
    %dma_wait3A_162 = tpu.memref_slice %arg4[%add3A_156, %dma_wait3A_161] : memref<65536x128xf32, #tpu.memory_space<hbm>> -> memref<256x128xf32, #tpu.memory_space<hbm>>
    %dma_wait3A_163 = arith.constant 0 : i32
    %dma_wait3A_164 = tpu.memref_slice %arg4[%add3A_156, %dma_wait3A_163] : memref<65536x128xf32, #tpu.memory_space<hbm>> -> memref<256x128xf32, #tpu.memory_space<hbm>>
    tpu.wait_dma2 semaphore(%arg11 : memref<!tpu.dma_semaphore, #tpu.memory_space<semaphore_mem>>) src(%arg7 : memref<256x128xf32, #tpu.memory_space<vmem>>) dst(%dma_wait3A_164 : memref<256x128xf32, #tpu.memory_space<hbm>>)
    %dma_start3A_165 = arith.constant 0 : i32
    %dma_start3A_166 = arith.constant 0 : i32
    %dma_start3A_167 = tpu.memref_slice %arg7[%dma_start3A_165, %dma_start3A_166] : memref<256x128xf32, #tpu.memory_space<vmem>> -> memref<256x128xf32, #tpu.memory_space<vmem>>
    %dma_start3A_168 = arith.constant 1792 : i32
    %dma_start3A_169 = tpu.memref_slice %arg5[%dma_start3A_168] : memref<2048xi32, #tpu.memory_space<vmem>> -> memref<256xi32, #tpu.memory_space<vmem>>
    %dma_start3A_170 = arith.constant 0 : i32
    %dma_start3A_171 = arith.constant 0 : i32
    %dma_start3A_172 = tpu.memref_slice %arg2[%dma_start3A_170, %dma_start3A_171] : memref<16384x128xf32, #tpu.memory_space<hbm>> -> memref<16384x128xf32, #tpu.memory_space<hbm>>
    tpu.enqueue_indirect_dma source(%dma_start3A_172 : memref<16384x128xf32, #tpu.memory_space<hbm>>) target(%dma_start3A_167 : memref<256x128xf32, #tpu.memory_space<vmem>>) offsets(%dma_start3A_169 : memref<256xi32, #tpu.memory_space<vmem>>) semaphore(%arg9 : memref<!tpu.dma_semaphore, #tpu.memory_space<semaphore_mem>>)
    %dma_wait3A_173 = arith.constant 0 : i32
    %dma_wait3A_174 = arith.constant 0 : i32
    %dma_wait3A_175 = tpu.memref_slice %arg6[%dma_wait3A_173, %dma_wait3A_174] : memref<256x128xf32, #tpu.memory_space<vmem>> -> memref<256x128xf32, #tpu.memory_space<vmem>>
    %dma_wait3A_176 = arith.constant 1536 : i32
    %dma_wait3A_177 = tpu.memref_slice %arg5[%dma_wait3A_176] : memref<2048xi32, #tpu.memory_space<vmem>> -> memref<256xi32, #tpu.memory_space<vmem>>
    %dma_wait3A_178 = arith.constant 0 : i32
    %dma_wait3A_179 = arith.constant 0 : i32
    %dma_wait3A_180 = tpu.memref_slice %arg2[%dma_wait3A_178, %dma_wait3A_179] : memref<16384x128xf32, #tpu.memory_space<hbm>> -> memref<16384x128xf32, #tpu.memory_space<hbm>>
    tpu.wait_indirect_dma semaphore(%arg8 : memref<!tpu.dma_semaphore, #tpu.memory_space<semaphore_mem>>) src(%dma_wait3A_180 : memref<16384x128xf32, #tpu.memory_space<hbm>>) dst(%dma_wait3A_175 : memref<256x128xf32, #tpu.memory_space<vmem>>)
    %add3A_181 = arith.constant 1536 : i32
    %add3A_182 = arith.addi %mul3A_2, %add3A_181 : i32
    %dma_start3A_183 = arith.constant 0 : i32
    %dma_start3A_184 = tpu.memref_slice %arg4[%add3A_182, %dma_start3A_183] : memref<65536x128xf32, #tpu.memory_space<hbm>> -> memref<256x128xf32, #tpu.memory_space<hbm>>
    %dma_start3A_185 = arith.constant 0 : i32
    %dma_start3A_186 = tpu.memref_slice %arg4[%add3A_182, %dma_start3A_185] : memref<65536x128xf32, #tpu.memory_space<hbm>> -> memref<256x128xf32, #tpu.memory_space<hbm>>
    tpu.enqueue_dma source(%arg6 : memref<256x128xf32, #tpu.memory_space<vmem>>) target(%dma_start3A_186 : memref<256x128xf32, #tpu.memory_space<hbm>>) target_semaphore(%arg10 : memref<!tpu.dma_semaphore, #tpu.memory_space<semaphore_mem>>)
    %dma_wait3A_187 = arith.constant 0 : i32
    %dma_wait3A_188 = arith.constant 0 : i32
    %dma_wait3A_189 = tpu.memref_slice %arg7[%dma_wait3A_187, %dma_wait3A_188] : memref<256x128xf32, #tpu.memory_space<vmem>> -> memref<256x128xf32, #tpu.memory_space<vmem>>
    %dma_wait3A_190 = arith.constant 1792 : i32
    %dma_wait3A_191 = tpu.memref_slice %arg5[%dma_wait3A_190] : memref<2048xi32, #tpu.memory_space<vmem>> -> memref<256xi32, #tpu.memory_space<vmem>>
    %dma_wait3A_192 = arith.constant 0 : i32
    %dma_wait3A_193 = arith.constant 0 : i32
    %dma_wait3A_194 = tpu.memref_slice %arg2[%dma_wait3A_192, %dma_wait3A_193] : memref<16384x128xf32, #tpu.memory_space<hbm>> -> memref<16384x128xf32, #tpu.memory_space<hbm>>
    tpu.wait_indirect_dma semaphore(%arg9 : memref<!tpu.dma_semaphore, #tpu.memory_space<semaphore_mem>>) src(%dma_wait3A_194 : memref<16384x128xf32, #tpu.memory_space<hbm>>) dst(%dma_wait3A_189 : memref<256x128xf32, #tpu.memory_space<vmem>>)
    %add3A_195 = arith.constant 1792 : i32
    %add3A_196 = arith.addi %mul3A_2, %add3A_195 : i32
    %dma_start3A_197 = arith.constant 0 : i32
    %dma_start3A_198 = tpu.memref_slice %arg4[%add3A_196, %dma_start3A_197] : memref<65536x128xf32, #tpu.memory_space<hbm>> -> memref<256x128xf32, #tpu.memory_space<hbm>>
    %dma_start3A_199 = arith.constant 0 : i32
    %dma_start3A_200 = tpu.memref_slice %arg4[%add3A_196, %dma_start3A_199] : memref<65536x128xf32, #tpu.memory_space<hbm>> -> memref<256x128xf32, #tpu.memory_space<hbm>>
    tpu.enqueue_dma source(%arg7 : memref<256x128xf32, #tpu.memory_space<vmem>>) target(%dma_start3A_200 : memref<256x128xf32, #tpu.memory_space<hbm>>) target_semaphore(%arg11 : memref<!tpu.dma_semaphore, #tpu.memory_space<semaphore_mem>>)
    %dma_wait3A_201 = arith.constant 0 : i32
    %dma_wait3A_202 = tpu.memref_slice %arg4[%add3A_182, %dma_wait3A_201] : memref<65536x128xf32, #tpu.memory_space<hbm>> -> memref<256x128xf32, #tpu.memory_space<hbm>>
    %dma_wait3A_203 = arith.constant 0 : i32
    %dma_wait3A_204 = tpu.memref_slice %arg4[%add3A_182, %dma_wait3A_203] : memref<65536x128xf32, #tpu.memory_space<hbm>> -> memref<256x128xf32, #tpu.memory_space<hbm>>
    tpu.wait_dma2 semaphore(%arg10 : memref<!tpu.dma_semaphore, #tpu.memory_space<semaphore_mem>>) src(%arg6 : memref<256x128xf32, #tpu.memory_space<vmem>>) dst(%dma_wait3A_204 : memref<256x128xf32, #tpu.memory_space<hbm>>)
    %dma_wait3A_205 = arith.constant 0 : i32
    %dma_wait3A_206 = tpu.memref_slice %arg4[%add3A_196, %dma_wait3A_205] : memref<65536x128xf32, #tpu.memory_space<hbm>> -> memref<256x128xf32, #tpu.memory_space<hbm>>
    %dma_wait3A_207 = arith.constant 0 : i32
    %dma_wait3A_208 = tpu.memref_slice %arg4[%add3A_196, %dma_wait3A_207] : memref<65536x128xf32, #tpu.memory_space<hbm>> -> memref<256x128xf32, #tpu.memory_space<hbm>>
    tpu.wait_dma2 semaphore(%arg11 : memref<!tpu.dma_semaphore, #tpu.memory_space<semaphore_mem>>) src(%arg7 : memref<256x128xf32, #tpu.memory_space<vmem>>) dst(%dma_wait3A_208 : memref<256x128xf32, #tpu.memory_space<hbm>>)
    return
  }
}

#map = affine_map<(d0, d1) -> (0, 0)>
#map1 = affine_map<(d0, d1) -> (0)>
module attributes {stable_mosaic.version = 14 : i64} {
  func.func @_sc_gather(%arg0: i32, %arg1: i32, %arg2: memref<16384x128xf32, #tpu.memory_space<hbm>>, %arg3: memref<65536xi32, #tpu.memory_space<hbm>>, %arg4: memref<65536x128xf32, #tpu.memory_space<hbm>>, %arg5: memref<2048xi32, #tpu.memory_space<vmem>>, %arg6: memref<256x128xf32, #tpu.memory_space<vmem>>, %arg7: memref<256x128xf32, #tpu.memory_space<vmem>>, %arg8: memref<!tpu.dma_semaphore, #tpu.memory_space<semaphore_mem>>, %arg9: memref<!tpu.dma_semaphore, #tpu.memory_space<semaphore_mem>>, %arg10: memref<!tpu.dma_semaphore, #tpu.memory_space<semaphore_mem>>, %arg11: memref<!tpu.dma_semaphore, #tpu.memory_space<semaphore_mem>>) attributes {dimension_semantics = [#tpu.dimension_semantics<core_parallel>, #tpu.dimension_semantics<subcore_parallel>], iteration_bounds = array<i64: 2, 16>, scalar_prefetch = 0 : i64, scratch_operands = 7 : i64, tpu.core_type = #tpu.core_type<sc_vector_subcore>, window_params = [{transform_indices = #map}, {transform_indices = #map1}, {transform_indices = #map}]} {
    %mul3A = arith.constant 2 : i32
    %mul3A_0 = arith.muli %arg1, %mul3A : i32
    %add3A = arith.addi %mul3A_0, %arg0 : i32
    %mul3A_1 = arith.constant 2048 : i32
    %mul3A_2 = arith.muli %add3A, %mul3A_1 : i32
    "tpu.region"() ({
      %run_scoped3A = tpu.sem_alloc : memref<!tpu.dma_semaphore, #tpu.memory_space<semaphore_mem>>
      %dma_start3A_209 = tpu.memref_slice %arg3[%mul3A_2] : memref<65536xi32, #tpu.memory_space<hbm>> -> memref<2048xi32, #tpu.memory_space<hbm>>
      %dma_start3A_210 = tpu.memref_slice %arg3[%mul3A_2] : memref<65536xi32, #tpu.memory_space<hbm>> -> memref<2048xi32, #tpu.memory_space<hbm>>
      tpu.enqueue_dma source(%dma_start3A_210 : memref<2048xi32, #tpu.memory_space<hbm>>) target(%arg5 : memref<2048xi32, #tpu.memory_space<vmem>>) target_semaphore(%run_scoped3A : memref<!tpu.dma_semaphore, #tpu.memory_space<semaphore_mem>>)
      %dma_wait3A_211 = tpu.memref_slice %arg3[%mul3A_2] : memref<65536xi32, #tpu.memory_space<hbm>> -> memref<2048xi32, #tpu.memory_space<hbm>>
      %dma_wait3A_212 = tpu.memref_slice %arg3[%mul3A_2] : memref<65536xi32, #tpu.memory_space<hbm>> -> memref<2048xi32, #tpu.memory_space<hbm>>
      tpu.wait_dma2 semaphore(%run_scoped3A : memref<!tpu.dma_semaphore, #tpu.memory_space<semaphore_mem>>) src(%dma_wait3A_212 : memref<2048xi32, #tpu.memory_space<hbm>>) dst(%arg5 : memref<2048xi32, #tpu.memory_space<vmem>>)
      tpu.yield
    }) : () -> ()
    %dma_start3A = arith.constant 0 : i32
    %dma_start3A_3 = arith.constant 0 : i32
    %dma_start3A_4 = tpu.memref_slice %arg6[%dma_start3A, %dma_start3A_3] : memref<256x128xf32, #tpu.memory_space<vmem>> -> memref<256x128xf32, #tpu.memory_space<vmem>>
    %dma_start3A_5 = arith.constant 0 : i32
    %dma_start3A_6 = tpu.memref_slice %arg5[%dma_start3A_5] : memref<2048xi32, #tpu.memory_space<vmem>> -> memref<256xi32, #tpu.memory_space<vmem>>
    %dma_start3A_7 = arith.constant 0 : i32
    %dma_start3A_8 = arith.constant 0 : i32
    %dma_start3A_9 = tpu.memref_slice %arg2[%dma_start3A_7, %dma_start3A_8] : memref<16384x128xf32, #tpu.memory_space<hbm>> -> memref<16384x128xf32, #tpu.memory_space<hbm>>
    tpu.enqueue_indirect_dma source(%dma_start3A_9 : memref<16384x128xf32, #tpu.memory_space<hbm>>) target(%dma_start3A_4 : memref<256x128xf32, #tpu.memory_space<vmem>>) offsets(%dma_start3A_6 : memref<256xi32, #tpu.memory_space<vmem>>) semaphore(%arg8 : memref<!tpu.dma_semaphore, #tpu.memory_space<semaphore_mem>>)
    %dma_start3A_10 = arith.constant 0 : i32
    %dma_start3A_11 = arith.constant 0 : i32
    %dma_start3A_12 = tpu.memref_slice %arg7[%dma_start3A_10, %dma_start3A_11] : memref<256x128xf32, #tpu.memory_space<vmem>> -> memref<256x128xf32, #tpu.memory_space<vmem>>
    %dma_start3A_13 = arith.constant 256 : i32
    %dma_start3A_14 = tpu.memref_slice %arg5[%dma_start3A_13] : memref<2048xi32, #tpu.memory_space<vmem>> -> memref<256xi32, #tpu.memory_space<vmem>>
    %dma_start3A_15 = arith.constant 0 : i32
    %dma_start3A_16 = arith.constant 0 : i32
    %dma_start3A_17 = tpu.memref_slice %arg2[%dma_start3A_15, %dma_start3A_16] : memref<16384x128xf32, #tpu.memory_space<hbm>> -> memref<16384x128xf32, #tpu.memory_space<hbm>>
    tpu.enqueue_indirect_dma source(%dma_start3A_17 : memref<16384x128xf32, #tpu.memory_space<hbm>>) target(%dma_start3A_12 : memref<256x128xf32, #tpu.memory_space<vmem>>) offsets(%dma_start3A_14 : memref<256xi32, #tpu.memory_space<vmem>>) semaphore(%arg9 : memref<!tpu.dma_semaphore, #tpu.memory_space<semaphore_mem>>)
    %dma_wait3A = arith.constant 0 : i32
    %dma_wait3A_18 = arith.constant 0 : i32
    %dma_wait3A_19 = tpu.memref_slice %arg6[%dma_wait3A, %dma_wait3A_18] : memref<256x128xf32, #tpu.memory_space<vmem>> -> memref<256x128xf32, #tpu.memory_space<vmem>>
    %dma_wait3A_20 = arith.constant 0 : i32
    %dma_wait3A_21 = tpu.memref_slice %arg5[%dma_wait3A_20] : memref<2048xi32, #tpu.memory_space<vmem>> -> memref<256xi32, #tpu.memory_space<vmem>>
    %dma_wait3A_22 = arith.constant 0 : i32
    %dma_wait3A_23 = arith.constant 0 : i32
    %dma_wait3A_24 = tpu.memref_slice %arg2[%dma_wait3A_22, %dma_wait3A_23] : memref<16384x128xf32, #tpu.memory_space<hbm>> -> memref<16384x128xf32, #tpu.memory_space<hbm>>
    tpu.wait_indirect_dma semaphore(%arg8 : memref<!tpu.dma_semaphore, #tpu.memory_space<semaphore_mem>>) src(%dma_wait3A_24 : memref<16384x128xf32, #tpu.memory_space<hbm>>) dst(%dma_wait3A_19 : memref<256x128xf32, #tpu.memory_space<vmem>>)
    %add3A_25 = arith.constant 0 : i32
    %add3A_26 = arith.addi %mul3A_2, %add3A_25 : i32
    %dma_start3A_27 = arith.constant 0 : i32
    %dma_start3A_28 = tpu.memref_slice %arg4[%add3A_26, %dma_start3A_27] : memref<65536x128xf32, #tpu.memory_space<hbm>> -> memref<256x128xf32, #tpu.memory_space<hbm>>
    %dma_start3A_29 = arith.constant 0 : i32
    %dma_start3A_30 = tpu.memref_slice %arg4[%add3A_26, %dma_start3A_29] : memref<65536x128xf32, #tpu.memory_space<hbm>> -> memref<256x128xf32, #tpu.memory_space<hbm>>
    tpu.enqueue_dma source(%arg6 : memref<256x128xf32, #tpu.memory_space<vmem>>) target(%dma_start3A_30 : memref<256x128xf32, #tpu.memory_space<hbm>>) target_semaphore(%arg10 : memref<!tpu.dma_semaphore, #tpu.memory_space<semaphore_mem>>)
    %dma_wait3A_31 = arith.constant 0 : i32
    %dma_wait3A_32 = tpu.memref_slice %arg4[%add3A_26, %dma_wait3A_31] : memref<65536x128xf32, #tpu.memory_space<hbm>> -> memref<256x128xf32, #tpu.memory_space<hbm>>
    %dma_wait3A_33 = arith.constant 0 : i32
    %dma_wait3A_34 = tpu.memref_slice %arg4[%add3A_26, %dma_wait3A_33] : memref<65536x128xf32, #tpu.memory_space<hbm>> -> memref<256x128xf32, #tpu.memory_space<hbm>>
    tpu.wait_dma2 semaphore(%arg10 : memref<!tpu.dma_semaphore, #tpu.memory_space<semaphore_mem>>) src(%arg6 : memref<256x128xf32, #tpu.memory_space<vmem>>) dst(%dma_wait3A_34 : memref<256x128xf32, #tpu.memory_space<hbm>>)
    %dma_start3A_35 = arith.constant 0 : i32
    %dma_start3A_36 = arith.constant 0 : i32
    %dma_start3A_37 = tpu.memref_slice %arg6[%dma_start3A_35, %dma_start3A_36] : memref<256x128xf32, #tpu.memory_space<vmem>> -> memref<256x128xf32, #tpu.memory_space<vmem>>
    %dma_start3A_38 = arith.constant 512 : i32
    %dma_start3A_39 = tpu.memref_slice %arg5[%dma_start3A_38] : memref<2048xi32, #tpu.memory_space<vmem>> -> memref<256xi32, #tpu.memory_space<vmem>>
    %dma_start3A_40 = arith.constant 0 : i32
    %dma_start3A_41 = arith.constant 0 : i32
    %dma_start3A_42 = tpu.memref_slice %arg2[%dma_start3A_40, %dma_start3A_41] : memref<16384x128xf32, #tpu.memory_space<hbm>> -> memref<16384x128xf32, #tpu.memory_space<hbm>>
    tpu.enqueue_indirect_dma source(%dma_start3A_42 : memref<16384x128xf32, #tpu.memory_space<hbm>>) target(%dma_start3A_37 : memref<256x128xf32, #tpu.memory_space<vmem>>) offsets(%dma_start3A_39 : memref<256xi32, #tpu.memory_space<vmem>>) semaphore(%arg8 : memref<!tpu.dma_semaphore, #tpu.memory_space<semaphore_mem>>)
    %dma_wait3A_43 = arith.constant 0 : i32
    %dma_wait3A_44 = arith.constant 0 : i32
    %dma_wait3A_45 = tpu.memref_slice %arg7[%dma_wait3A_43, %dma_wait3A_44] : memref<256x128xf32, #tpu.memory_space<vmem>> -> memref<256x128xf32, #tpu.memory_space<vmem>>
    %dma_wait3A_46 = arith.constant 256 : i32
    %dma_wait3A_47 = tpu.memref_slice %arg5[%dma_wait3A_46] : memref<2048xi32, #tpu.memory_space<vmem>> -> memref<256xi32, #tpu.memory_space<vmem>>
    %dma_wait3A_48 = arith.constant 0 : i32
    %dma_wait3A_49 = arith.constant 0 : i32
    %dma_wait3A_50 = tpu.memref_slice %arg2[%dma_wait3A_48, %dma_wait3A_49] : memref<16384x128xf32, #tpu.memory_space<hbm>> -> memref<16384x128xf32, #tpu.memory_space<hbm>>
    tpu.wait_indirect_dma semaphore(%arg9 : memref<!tpu.dma_semaphore, #tpu.memory_space<semaphore_mem>>) src(%dma_wait3A_50 : memref<16384x128xf32, #tpu.memory_space<hbm>>) dst(%dma_wait3A_45 : memref<256x128xf32, #tpu.memory_space<vmem>>)
    %add3A_51 = arith.constant 256 : i32
    %add3A_52 = arith.addi %mul3A_2, %add3A_51 : i32
    %dma_start3A_53 = arith.constant 0 : i32
    %dma_start3A_54 = tpu.memref_slice %arg4[%add3A_52, %dma_start3A_53] : memref<65536x128xf32, #tpu.memory_space<hbm>> -> memref<256x128xf32, #tpu.memory_space<hbm>>
    %dma_start3A_55 = arith.constant 0 : i32
    %dma_start3A_56 = tpu.memref_slice %arg4[%add3A_52, %dma_start3A_55] : memref<65536x128xf32, #tpu.memory_space<hbm>> -> memref<256x128xf32, #tpu.memory_space<hbm>>
    tpu.enqueue_dma source(%arg7 : memref<256x128xf32, #tpu.memory_space<vmem>>) target(%dma_start3A_56 : memref<256x128xf32, #tpu.memory_space<hbm>>) target_semaphore(%arg11 : memref<!tpu.dma_semaphore, #tpu.memory_space<semaphore_mem>>)
    %dma_wait3A_57 = arith.constant 0 : i32
    %dma_wait3A_58 = tpu.memref_slice %arg4[%add3A_52, %dma_wait3A_57] : memref<65536x128xf32, #tpu.memory_space<hbm>> -> memref<256x128xf32, #tpu.memory_space<hbm>>
    %dma_wait3A_59 = arith.constant 0 : i32
    %dma_wait3A_60 = tpu.memref_slice %arg4[%add3A_52, %dma_wait3A_59] : memref<65536x128xf32, #tpu.memory_space<hbm>> -> memref<256x128xf32, #tpu.memory_space<hbm>>
    tpu.wait_dma2 semaphore(%arg11 : memref<!tpu.dma_semaphore, #tpu.memory_space<semaphore_mem>>) src(%arg7 : memref<256x128xf32, #tpu.memory_space<vmem>>) dst(%dma_wait3A_60 : memref<256x128xf32, #tpu.memory_space<hbm>>)
    %dma_start3A_61 = arith.constant 0 : i32
    %dma_start3A_62 = arith.constant 0 : i32
    %dma_start3A_63 = tpu.memref_slice %arg7[%dma_start3A_61, %dma_start3A_62] : memref<256x128xf32, #tpu.memory_space<vmem>> -> memref<256x128xf32, #tpu.memory_space<vmem>>
    %dma_start3A_64 = arith.constant 768 : i32
    %dma_start3A_65 = tpu.memref_slice %arg5[%dma_start3A_64] : memref<2048xi32, #tpu.memory_space<vmem>> -> memref<256xi32, #tpu.memory_space<vmem>>
    %dma_start3A_66 = arith.constant 0 : i32
    %dma_start3A_67 = arith.constant 0 : i32
    %dma_start3A_68 = tpu.memref_slice %arg2[%dma_start3A_66, %dma_start3A_67] : memref<16384x128xf32, #tpu.memory_space<hbm>> -> memref<16384x128xf32, #tpu.memory_space<hbm>>
    tpu.enqueue_indirect_dma source(%dma_start3A_68 : memref<16384x128xf32, #tpu.memory_space<hbm>>) target(%dma_start3A_63 : memref<256x128xf32, #tpu.memory_space<vmem>>) offsets(%dma_start3A_65 : memref<256xi32, #tpu.memory_space<vmem>>) semaphore(%arg9 : memref<!tpu.dma_semaphore, #tpu.memory_space<semaphore_mem>>)
    %dma_wait3A_69 = arith.constant 0 : i32
    %dma_wait3A_70 = arith.constant 0 : i32
    %dma_wait3A_71 = tpu.memref_slice %arg6[%dma_wait3A_69, %dma_wait3A_70] : memref<256x128xf32, #tpu.memory_space<vmem>> -> memref<256x128xf32, #tpu.memory_space<vmem>>
    %dma_wait3A_72 = arith.constant 512 : i32
    %dma_wait3A_73 = tpu.memref_slice %arg5[%dma_wait3A_72] : memref<2048xi32, #tpu.memory_space<vmem>> -> memref<256xi32, #tpu.memory_space<vmem>>
    %dma_wait3A_74 = arith.constant 0 : i32
    %dma_wait3A_75 = arith.constant 0 : i32
    %dma_wait3A_76 = tpu.memref_slice %arg2[%dma_wait3A_74, %dma_wait3A_75] : memref<16384x128xf32, #tpu.memory_space<hbm>> -> memref<16384x128xf32, #tpu.memory_space<hbm>>
    tpu.wait_indirect_dma semaphore(%arg8 : memref<!tpu.dma_semaphore, #tpu.memory_space<semaphore_mem>>) src(%dma_wait3A_76 : memref<16384x128xf32, #tpu.memory_space<hbm>>) dst(%dma_wait3A_71 : memref<256x128xf32, #tpu.memory_space<vmem>>)
    %add3A_77 = arith.constant 512 : i32
    %add3A_78 = arith.addi %mul3A_2, %add3A_77 : i32
    %dma_start3A_79 = arith.constant 0 : i32
    %dma_start3A_80 = tpu.memref_slice %arg4[%add3A_78, %dma_start3A_79] : memref<65536x128xf32, #tpu.memory_space<hbm>> -> memref<256x128xf32, #tpu.memory_space<hbm>>
    %dma_start3A_81 = arith.constant 0 : i32
    %dma_start3A_82 = tpu.memref_slice %arg4[%add3A_78, %dma_start3A_81] : memref<65536x128xf32, #tpu.memory_space<hbm>> -> memref<256x128xf32, #tpu.memory_space<hbm>>
    tpu.enqueue_dma source(%arg6 : memref<256x128xf32, #tpu.memory_space<vmem>>) target(%dma_start3A_82 : memref<256x128xf32, #tpu.memory_space<hbm>>) target_semaphore(%arg10 : memref<!tpu.dma_semaphore, #tpu.memory_space<semaphore_mem>>)
    %dma_wait3A_83 = arith.constant 0 : i32
    %dma_wait3A_84 = tpu.memref_slice %arg4[%add3A_78, %dma_wait3A_83] : memref<65536x128xf32, #tpu.memory_space<hbm>> -> memref<256x128xf32, #tpu.memory_space<hbm>>
    %dma_wait3A_85 = arith.constant 0 : i32
    %dma_wait3A_86 = tpu.memref_slice %arg4[%add3A_78, %dma_wait3A_85] : memref<65536x128xf32, #tpu.memory_space<hbm>> -> memref<256x128xf32, #tpu.memory_space<hbm>>
    tpu.wait_dma2 semaphore(%arg10 : memref<!tpu.dma_semaphore, #tpu.memory_space<semaphore_mem>>) src(%arg6 : memref<256x128xf32, #tpu.memory_space<vmem>>) dst(%dma_wait3A_86 : memref<256x128xf32, #tpu.memory_space<hbm>>)
    %dma_start3A_87 = arith.constant 0 : i32
    %dma_start3A_88 = arith.constant 0 : i32
    %dma_start3A_89 = tpu.memref_slice %arg6[%dma_start3A_87, %dma_start3A_88] : memref<256x128xf32, #tpu.memory_space<vmem>> -> memref<256x128xf32, #tpu.memory_space<vmem>>
    %dma_start3A_90 = arith.constant 1024 : i32
    %dma_start3A_91 = tpu.memref_slice %arg5[%dma_start3A_90] : memref<2048xi32, #tpu.memory_space<vmem>> -> memref<256xi32, #tpu.memory_space<vmem>>
    %dma_start3A_92 = arith.constant 0 : i32
    %dma_start3A_93 = arith.constant 0 : i32
    %dma_start3A_94 = tpu.memref_slice %arg2[%dma_start3A_92, %dma_start3A_93] : memref<16384x128xf32, #tpu.memory_space<hbm>> -> memref<16384x128xf32, #tpu.memory_space<hbm>>
    tpu.enqueue_indirect_dma source(%dma_start3A_94 : memref<16384x128xf32, #tpu.memory_space<hbm>>) target(%dma_start3A_89 : memref<256x128xf32, #tpu.memory_space<vmem>>) offsets(%dma_start3A_91 : memref<256xi32, #tpu.memory_space<vmem>>) semaphore(%arg8 : memref<!tpu.dma_semaphore, #tpu.memory_space<semaphore_mem>>)
    %dma_wait3A_95 = arith.constant 0 : i32
    %dma_wait3A_96 = arith.constant 0 : i32
    %dma_wait3A_97 = tpu.memref_slice %arg7[%dma_wait3A_95, %dma_wait3A_96] : memref<256x128xf32, #tpu.memory_space<vmem>> -> memref<256x128xf32, #tpu.memory_space<vmem>>
    %dma_wait3A_98 = arith.constant 768 : i32
    %dma_wait3A_99 = tpu.memref_slice %arg5[%dma_wait3A_98] : memref<2048xi32, #tpu.memory_space<vmem>> -> memref<256xi32, #tpu.memory_space<vmem>>
    %dma_wait3A_100 = arith.constant 0 : i32
    %dma_wait3A_101 = arith.constant 0 : i32
    %dma_wait3A_102 = tpu.memref_slice %arg2[%dma_wait3A_100, %dma_wait3A_101] : memref<16384x128xf32, #tpu.memory_space<hbm>> -> memref<16384x128xf32, #tpu.memory_space<hbm>>
    tpu.wait_indirect_dma semaphore(%arg9 : memref<!tpu.dma_semaphore, #tpu.memory_space<semaphore_mem>>) src(%dma_wait3A_102 : memref<16384x128xf32, #tpu.memory_space<hbm>>) dst(%dma_wait3A_97 : memref<256x128xf32, #tpu.memory_space<vmem>>)
    %add3A_103 = arith.constant 768 : i32
    %add3A_104 = arith.addi %mul3A_2, %add3A_103 : i32
    %dma_start3A_105 = arith.constant 0 : i32
    %dma_start3A_106 = tpu.memref_slice %arg4[%add3A_104, %dma_start3A_105] : memref<65536x128xf32, #tpu.memory_space<hbm>> -> memref<256x128xf32, #tpu.memory_space<hbm>>
    %dma_start3A_107 = arith.constant 0 : i32
    %dma_start3A_108 = tpu.memref_slice %arg4[%add3A_104, %dma_start3A_107] : memref<65536x128xf32, #tpu.memory_space<hbm>> -> memref<256x128xf32, #tpu.memory_space<hbm>>
    tpu.enqueue_dma source(%arg7 : memref<256x128xf32, #tpu.memory_space<vmem>>) target(%dma_start3A_108 : memref<256x128xf32, #tpu.memory_space<hbm>>) target_semaphore(%arg11 : memref<!tpu.dma_semaphore, #tpu.memory_space<semaphore_mem>>)
    %dma_wait3A_109 = arith.constant 0 : i32
    %dma_wait3A_110 = tpu.memref_slice %arg4[%add3A_104, %dma_wait3A_109] : memref<65536x128xf32, #tpu.memory_space<hbm>> -> memref<256x128xf32, #tpu.memory_space<hbm>>
    %dma_wait3A_111 = arith.constant 0 : i32
    %dma_wait3A_112 = tpu.memref_slice %arg4[%add3A_104, %dma_wait3A_111] : memref<65536x128xf32, #tpu.memory_space<hbm>> -> memref<256x128xf32, #tpu.memory_space<hbm>>
    tpu.wait_dma2 semaphore(%arg11 : memref<!tpu.dma_semaphore, #tpu.memory_space<semaphore_mem>>) src(%arg7 : memref<256x128xf32, #tpu.memory_space<vmem>>) dst(%dma_wait3A_112 : memref<256x128xf32, #tpu.memory_space<hbm>>)
    %dma_start3A_113 = arith.constant 0 : i32
    %dma_start3A_114 = arith.constant 0 : i32
    %dma_start3A_115 = tpu.memref_slice %arg7[%dma_start3A_113, %dma_start3A_114] : memref<256x128xf32, #tpu.memory_space<vmem>> -> memref<256x128xf32, #tpu.memory_space<vmem>>
    %dma_start3A_116 = arith.constant 1280 : i32
    %dma_start3A_117 = tpu.memref_slice %arg5[%dma_start3A_116] : memref<2048xi32, #tpu.memory_space<vmem>> -> memref<256xi32, #tpu.memory_space<vmem>>
    %dma_start3A_118 = arith.constant 0 : i32
    %dma_start3A_119 = arith.constant 0 : i32
    %dma_start3A_120 = tpu.memref_slice %arg2[%dma_start3A_118, %dma_start3A_119] : memref<16384x128xf32, #tpu.memory_space<hbm>> -> memref<16384x128xf32, #tpu.memory_space<hbm>>
    tpu.enqueue_indirect_dma source(%dma_start3A_120 : memref<16384x128xf32, #tpu.memory_space<hbm>>) target(%dma_start3A_115 : memref<256x128xf32, #tpu.memory_space<vmem>>) offsets(%dma_start3A_117 : memref<256xi32, #tpu.memory_space<vmem>>) semaphore(%arg9 : memref<!tpu.dma_semaphore, #tpu.memory_space<semaphore_mem>>)
    %dma_wait3A_121 = arith.constant 0 : i32
    %dma_wait3A_122 = arith.constant 0 : i32
    %dma_wait3A_123 = tpu.memref_slice %arg6[%dma_wait3A_121, %dma_wait3A_122] : memref<256x128xf32, #tpu.memory_space<vmem>> -> memref<256x128xf32, #tpu.memory_space<vmem>>
    %dma_wait3A_124 = arith.constant 1024 : i32
    %dma_wait3A_125 = tpu.memref_slice %arg5[%dma_wait3A_124] : memref<2048xi32, #tpu.memory_space<vmem>> -> memref<256xi32, #tpu.memory_space<vmem>>
    %dma_wait3A_126 = arith.constant 0 : i32
    %dma_wait3A_127 = arith.constant 0 : i32
    %dma_wait3A_128 = tpu.memref_slice %arg2[%dma_wait3A_126, %dma_wait3A_127] : memref<16384x128xf32, #tpu.memory_space<hbm>> -> memref<16384x128xf32, #tpu.memory_space<hbm>>
    tpu.wait_indirect_dma semaphore(%arg8 : memref<!tpu.dma_semaphore, #tpu.memory_space<semaphore_mem>>) src(%dma_wait3A_128 : memref<16384x128xf32, #tpu.memory_space<hbm>>) dst(%dma_wait3A_123 : memref<256x128xf32, #tpu.memory_space<vmem>>)
    %add3A_129 = arith.constant 1024 : i32
    %add3A_130 = arith.addi %mul3A_2, %add3A_129 : i32
    %dma_start3A_131 = arith.constant 0 : i32
    %dma_start3A_132 = tpu.memref_slice %arg4[%add3A_130, %dma_start3A_131] : memref<65536x128xf32, #tpu.memory_space<hbm>> -> memref<256x128xf32, #tpu.memory_space<hbm>>
    %dma_start3A_133 = arith.constant 0 : i32
    %dma_start3A_134 = tpu.memref_slice %arg4[%add3A_130, %dma_start3A_133] : memref<65536x128xf32, #tpu.memory_space<hbm>> -> memref<256x128xf32, #tpu.memory_space<hbm>>
    tpu.enqueue_dma source(%arg6 : memref<256x128xf32, #tpu.memory_space<vmem>>) target(%dma_start3A_134 : memref<256x128xf32, #tpu.memory_space<hbm>>) target_semaphore(%arg10 : memref<!tpu.dma_semaphore, #tpu.memory_space<semaphore_mem>>)
    %dma_wait3A_135 = arith.constant 0 : i32
    %dma_wait3A_136 = tpu.memref_slice %arg4[%add3A_130, %dma_wait3A_135] : memref<65536x128xf32, #tpu.memory_space<hbm>> -> memref<256x128xf32, #tpu.memory_space<hbm>>
    %dma_wait3A_137 = arith.constant 0 : i32
    %dma_wait3A_138 = tpu.memref_slice %arg4[%add3A_130, %dma_wait3A_137] : memref<65536x128xf32, #tpu.memory_space<hbm>> -> memref<256x128xf32, #tpu.memory_space<hbm>>
    tpu.wait_dma2 semaphore(%arg10 : memref<!tpu.dma_semaphore, #tpu.memory_space<semaphore_mem>>) src(%arg6 : memref<256x128xf32, #tpu.memory_space<vmem>>) dst(%dma_wait3A_138 : memref<256x128xf32, #tpu.memory_space<hbm>>)
    %dma_start3A_139 = arith.constant 0 : i32
    %dma_start3A_140 = arith.constant 0 : i32
    %dma_start3A_141 = tpu.memref_slice %arg6[%dma_start3A_139, %dma_start3A_140] : memref<256x128xf32, #tpu.memory_space<vmem>> -> memref<256x128xf32, #tpu.memory_space<vmem>>
    %dma_start3A_142 = arith.constant 1536 : i32
    %dma_start3A_143 = tpu.memref_slice %arg5[%dma_start3A_142] : memref<2048xi32, #tpu.memory_space<vmem>> -> memref<256xi32, #tpu.memory_space<vmem>>
    %dma_start3A_144 = arith.constant 0 : i32
    %dma_start3A_145 = arith.constant 0 : i32
    %dma_start3A_146 = tpu.memref_slice %arg2[%dma_start3A_144, %dma_start3A_145] : memref<16384x128xf32, #tpu.memory_space<hbm>> -> memref<16384x128xf32, #tpu.memory_space<hbm>>
    tpu.enqueue_indirect_dma source(%dma_start3A_146 : memref<16384x128xf32, #tpu.memory_space<hbm>>) target(%dma_start3A_141 : memref<256x128xf32, #tpu.memory_space<vmem>>) offsets(%dma_start3A_143 : memref<256xi32, #tpu.memory_space<vmem>>) semaphore(%arg8 : memref<!tpu.dma_semaphore, #tpu.memory_space<semaphore_mem>>)
    %dma_wait3A_147 = arith.constant 0 : i32
    %dma_wait3A_148 = arith.constant 0 : i32
    %dma_wait3A_149 = tpu.memref_slice %arg7[%dma_wait3A_147, %dma_wait3A_148] : memref<256x128xf32, #tpu.memory_space<vmem>> -> memref<256x128xf32, #tpu.memory_space<vmem>>
    %dma_wait3A_150 = arith.constant 1280 : i32
    %dma_wait3A_151 = tpu.memref_slice %arg5[%dma_wait3A_150] : memref<2048xi32, #tpu.memory_space<vmem>> -> memref<256xi32, #tpu.memory_space<vmem>>
    %dma_wait3A_152 = arith.constant 0 : i32
    %dma_wait3A_153 = arith.constant 0 : i32
    %dma_wait3A_154 = tpu.memref_slice %arg2[%dma_wait3A_152, %dma_wait3A_153] : memref<16384x128xf32, #tpu.memory_space<hbm>> -> memref<16384x128xf32, #tpu.memory_space<hbm>>
    tpu.wait_indirect_dma semaphore(%arg9 : memref<!tpu.dma_semaphore, #tpu.memory_space<semaphore_mem>>) src(%dma_wait3A_154 : memref<16384x128xf32, #tpu.memory_space<hbm>>) dst(%dma_wait3A_149 : memref<256x128xf32, #tpu.memory_space<vmem>>)
    %add3A_155 = arith.constant 1280 : i32
    %add3A_156 = arith.addi %mul3A_2, %add3A_155 : i32
    %dma_start3A_157 = arith.constant 0 : i32
    %dma_start3A_158 = tpu.memref_slice %arg4[%add3A_156, %dma_start3A_157] : memref<65536x128xf32, #tpu.memory_space<hbm>> -> memref<256x128xf32, #tpu.memory_space<hbm>>
    %dma_start3A_159 = arith.constant 0 : i32
    %dma_start3A_160 = tpu.memref_slice %arg4[%add3A_156, %dma_start3A_159] : memref<65536x128xf32, #tpu.memory_space<hbm>> -> memref<256x128xf32, #tpu.memory_space<hbm>>
    tpu.enqueue_dma source(%arg7 : memref<256x128xf32, #tpu.memory_space<vmem>>) target(%dma_start3A_160 : memref<256x128xf32, #tpu.memory_space<hbm>>) target_semaphore(%arg11 : memref<!tpu.dma_semaphore, #tpu.memory_space<semaphore_mem>>)
    %dma_wait3A_161 = arith.constant 0 : i32
    %dma_wait3A_162 = tpu.memref_slice %arg4[%add3A_156, %dma_wait3A_161] : memref<65536x128xf32, #tpu.memory_space<hbm>> -> memref<256x128xf32, #tpu.memory_space<hbm>>
    %dma_wait3A_163 = arith.constant 0 : i32
    %dma_wait3A_164 = tpu.memref_slice %arg4[%add3A_156, %dma_wait3A_163] : memref<65536x128xf32, #tpu.memory_space<hbm>> -> memref<256x128xf32, #tpu.memory_space<hbm>>
    tpu.wait_dma2 semaphore(%arg11 : memref<!tpu.dma_semaphore, #tpu.memory_space<semaphore_mem>>) src(%arg7 : memref<256x128xf32, #tpu.memory_space<vmem>>) dst(%dma_wait3A_164 : memref<256x128xf32, #tpu.memory_space<hbm>>)
    %dma_start3A_165 = arith.constant 0 : i32
    %dma_start3A_166 = arith.constant 0 : i32
    %dma_start3A_167 = tpu.memref_slice %arg7[%dma_start3A_165, %dma_start3A_166] : memref<256x128xf32, #tpu.memory_space<vmem>> -> memref<256x128xf32, #tpu.memory_space<vmem>>
    %dma_start3A_168 = arith.constant 1792 : i32
    %dma_start3A_169 = tpu.memref_slice %arg5[%dma_start3A_168] : memref<2048xi32, #tpu.memory_space<vmem>> -> memref<256xi32, #tpu.memory_space<vmem>>
    %dma_start3A_170 = arith.constant 0 : i32
    %dma_start3A_171 = arith.constant 0 : i32
    %dma_start3A_172 = tpu.memref_slice %arg2[%dma_start3A_170, %dma_start3A_171] : memref<16384x128xf32, #tpu.memory_space<hbm>> -> memref<16384x128xf32, #tpu.memory_space<hbm>>
    tpu.enqueue_indirect_dma source(%dma_start3A_172 : memref<16384x128xf32, #tpu.memory_space<hbm>>) target(%dma_start3A_167 : memref<256x128xf32, #tpu.memory_space<vmem>>) offsets(%dma_start3A_169 : memref<256xi32, #tpu.memory_space<vmem>>) semaphore(%arg9 : memref<!tpu.dma_semaphore, #tpu.memory_space<semaphore_mem>>)
    %dma_wait3A_173 = arith.constant 0 : i32
    %dma_wait3A_174 = arith.constant 0 : i32
    %dma_wait3A_175 = tpu.memref_slice %arg6[%dma_wait3A_173, %dma_wait3A_174] : memref<256x128xf32, #tpu.memory_space<vmem>> -> memref<256x128xf32, #tpu.memory_space<vmem>>
    %dma_wait3A_176 = arith.constant 1536 : i32
    %dma_wait3A_177 = tpu.memref_slice %arg5[%dma_wait3A_176] : memref<2048xi32, #tpu.memory_space<vmem>> -> memref<256xi32, #tpu.memory_space<vmem>>
    %dma_wait3A_178 = arith.constant 0 : i32
    %dma_wait3A_179 = arith.constant 0 : i32
    %dma_wait3A_180 = tpu.memref_slice %arg2[%dma_wait3A_178, %dma_wait3A_179] : memref<16384x128xf32, #tpu.memory_space<hbm>> -> memref<16384x128xf32, #tpu.memory_space<hbm>>
    tpu.wait_indirect_dma semaphore(%arg8 : memref<!tpu.dma_semaphore, #tpu.memory_space<semaphore_mem>>) src(%dma_wait3A_180 : memref<16384x128xf32, #tpu.memory_space<hbm>>) dst(%dma_wait3A_175 : memref<256x128xf32, #tpu.memory_space<vmem>>)
    %add3A_181 = arith.constant 1536 : i32
    %add3A_182 = arith.addi %mul3A_2, %add3A_181 : i32
    %dma_start3A_183 = arith.constant 0 : i32
    %dma_start3A_184 = tpu.memref_slice %arg4[%add3A_182, %dma_start3A_183] : memref<65536x128xf32, #tpu.memory_space<hbm>> -> memref<256x128xf32, #tpu.memory_space<hbm>>
    %dma_start3A_185 = arith.constant 0 : i32
    %dma_start3A_186 = tpu.memref_slice %arg4[%add3A_182, %dma_start3A_185] : memref<65536x128xf32, #tpu.memory_space<hbm>> -> memref<256x128xf32, #tpu.memory_space<hbm>>
    tpu.enqueue_dma source(%arg6 : memref<256x128xf32, #tpu.memory_space<vmem>>) target(%dma_start3A_186 : memref<256x128xf32, #tpu.memory_space<hbm>>) target_semaphore(%arg10 : memref<!tpu.dma_semaphore, #tpu.memory_space<semaphore_mem>>)
    %dma_wait3A_187 = arith.constant 0 : i32
    %dma_wait3A_188 = arith.constant 0 : i32
    %dma_wait3A_189 = tpu.memref_slice %arg7[%dma_wait3A_187, %dma_wait3A_188] : memref<256x128xf32, #tpu.memory_space<vmem>> -> memref<256x128xf32, #tpu.memory_space<vmem>>
    %dma_wait3A_190 = arith.constant 1792 : i32
    %dma_wait3A_191 = tpu.memref_slice %arg5[%dma_wait3A_190] : memref<2048xi32, #tpu.memory_space<vmem>> -> memref<256xi32, #tpu.memory_space<vmem>>
    %dma_wait3A_192 = arith.constant 0 : i32
    %dma_wait3A_193 = arith.constant 0 : i32
    %dma_wait3A_194 = tpu.memref_slice %arg2[%dma_wait3A_192, %dma_wait3A_193] : memref<16384x128xf32, #tpu.memory_space<hbm>> -> memref<16384x128xf32, #tpu.memory_space<hbm>>
    tpu.wait_indirect_dma semaphore(%arg9 : memref<!tpu.dma_semaphore, #tpu.memory_space<semaphore_mem>>) src(%dma_wait3A_194 : memref<16384x128xf32, #tpu.memory_space<hbm>>) dst(%dma_wait3A_189 : memref<256x128xf32, #tpu.memory_space<vmem>>)
    %add3A_195 = arith.constant 1792 : i32
    %add3A_196 = arith.addi %mul3A_2, %add3A_195 : i32
    %dma_start3A_197 = arith.constant 0 : i32
    %dma_start3A_198 = tpu.memref_slice %arg4[%add3A_196, %dma_start3A_197] : memref<65536x128xf32, #tpu.memory_space<hbm>> -> memref<256x128xf32, #tpu.memory_space<hbm>>
    %dma_start3A_199 = arith.constant 0 : i32
    %dma_start3A_200 = tpu.memref_slice %arg4[%add3A_196, %dma_start3A_199] : memref<65536x128xf32, #tpu.memory_space<hbm>> -> memref<256x128xf32, #tpu.memory_space<hbm>>
    tpu.enqueue_dma source(%arg7 : memref<256x128xf32, #tpu.memory_space<vmem>>) target(%dma_start3A_200 : memref<256x128xf32, #tpu.memory_space<hbm>>) target_semaphore(%arg11 : memref<!tpu.dma_semaphore, #tpu.memory_space<semaphore_mem>>)
    %dma_wait3A_201 = arith.constant 0 : i32
    %dma_wait3A_202 = tpu.memref_slice %arg4[%add3A_182, %dma_wait3A_201] : memref<65536x128xf32, #tpu.memory_space<hbm>> -> memref<256x128xf32, #tpu.memory_space<hbm>>
    %dma_wait3A_203 = arith.constant 0 : i32
    %dma_wait3A_204 = tpu.memref_slice %arg4[%add3A_182, %dma_wait3A_203] : memref<65536x128xf32, #tpu.memory_space<hbm>> -> memref<256x128xf32, #tpu.memory_space<hbm>>
    tpu.wait_dma2 semaphore(%arg10 : memref<!tpu.dma_semaphore, #tpu.memory_space<semaphore_mem>>) src(%arg6 : memref<256x128xf32, #tpu.memory_space<vmem>>) dst(%dma_wait3A_204 : memref<256x128xf32, #tpu.memory_space<hbm>>)
    %dma_wait3A_205 = arith.constant 0 : i32
    %dma_wait3A_206 = tpu.memref_slice %arg4[%add3A_196, %dma_wait3A_205] : memref<65536x128xf32, #tpu.memory_space<hbm>> -> memref<256x128xf32, #tpu.memory_space<hbm>>
    %dma_wait3A_207 = arith.constant 0 : i32
    %dma_wait3A_208 = tpu.memref_slice %arg4[%add3A_196, %dma_wait3A_207] : memref<65536x128xf32, #tpu.memory_space<hbm>> -> memref<256x128xf32, #tpu.memory_space<hbm>>
    tpu.wait_dma2 semaphore(%arg11 : memref<!tpu.dma_semaphore, #tpu.memory_space<semaphore_mem>>) src(%arg7 : memref<256x128xf32, #tpu.memory_space<vmem>>) dst(%dma_wait3A_208 : memref<256x128xf32, #tpu.memory_space<hbm>>)
    return
  }
}

module attributes {stable_mosaic.version = 14 : i64} {
  func.func @_encode_body(%arg0: i32, %arg1: memref<4096x96xf32, #tpu.memory_space<vmem>>, %arg2: memref<96x64xf32, #tpu.memory_space<vmem>>, %arg3: memref<1x64xf32, #tpu.memory_space<vmem>>, %arg4: memref<64x32xf32, #tpu.memory_space<vmem>>, %arg5: memref<1x32xf32, #tpu.memory_space<vmem>>, %arg6: memref<32x512xf32, #tpu.memory_space<vmem>>, %arg7: memref<4096x1xi32, #tpu.memory_space<vmem>>) attributes {dimension_semantics = [#tpu.dimension_semantics<arbitrary>], iteration_bounds = array<i64: 16>, scalar_prefetch = 0 : i64, scratch_operands = 0 : i64, tpu.core_type = #tpu.core_type<tc>, window_params = [{transform_indices = @transform_0, window_bounds = array<i64: 4096, 96>}, {pipeline_mode = #tpu.pipeline_mode<synchronous>, transform_indices = @transform_1, window_bounds = array<i64: 96, 64>}, {pipeline_mode = #tpu.pipeline_mode<synchronous>, transform_indices = @transform_2, window_bounds = array<i64: 1, 64>}, {pipeline_mode = #tpu.pipeline_mode<synchronous>, transform_indices = @transform_3, window_bounds = array<i64: 64, 32>}, {pipeline_mode = #tpu.pipeline_mode<synchronous>, transform_indices = @transform_4, window_bounds = array<i64: 1, 32>}, {pipeline_mode = #tpu.pipeline_mode<synchronous>, transform_indices = @transform_5, window_bounds = array<i64: 32, 512>}, {transform_indices = @transform_6, window_bounds = array<i64: 4096, 1>}]} {
    %get3A = arith.constant 0 : index
    %get3A_0 = arith.constant 0 : index
    %get3A_1 = vector.load %arg1[%get3A, %get3A_0] : memref<4096x96xf32, #tpu.memory_space<vmem>>, vector<4096x96xf32>
    %get3A_2 = arith.constant 0 : index
    %get3A_3 = arith.constant 0 : index
    %get3A_4 = vector.load %arg2[%get3A_2, %get3A_3] : memref<96x64xf32, #tpu.memory_space<vmem>>, vector<96x64xf32>
    %dot_general3A = arith.constant dense<0.000000e+00> : vector<4096x64xf32>
    %dot_general3A_5 = tpu.matmul %get3A_1, %get3A_4, %dot_general3A {dimension_numbers = #tpu.dot_dimension_numbers<[1], [0], [0], [1], [0, 0, 1, 1], [], []>, transpose_lhs_hint = false} : vector<4096x96xf32>, vector<96x64xf32>, vector<4096x64xf32> -> vector<4096x64xf32>
    %get3A_6 = arith.constant 0 : index
    %get3A_7 = arith.constant 0 : index
    %get3A_8 = vector.load %arg3[%get3A_6, %get3A_7] : memref<1x64xf32, #tpu.memory_space<vmem>>, vector<1x64xf32>
    %add3A = vector.broadcast %get3A_8 : vector<1x64xf32> to vector<4096x64xf32>
    %add3A_9 = arith.addf %dot_general3A_5, %add3A : vector<4096x64xf32>
    %max3A = arith.constant 0.000000e+00 : f32
    %max3A_10 = vector.broadcast %max3A : f32 to vector<4096x64xf32>
    %max3A_11 = arith.maximumf %add3A_9, %max3A_10 : vector<4096x64xf32>
    %get3A_12 = arith.constant 0 : index
    %get3A_13 = arith.constant 0 : index
    %get3A_14 = vector.load %arg4[%get3A_12, %get3A_13] : memref<64x32xf32, #tpu.memory_space<vmem>>, vector<64x32xf32>
    %dot_general3A_15 = arith.constant dense<0.000000e+00> : vector<4096x32xf32>
    %dot_general3A_16 = tpu.matmul %max3A_11, %get3A_14, %dot_general3A_15 {dimension_numbers = #tpu.dot_dimension_numbers<[1], [0], [0], [1], [0, 0, 1, 1], [], []>, transpose_lhs_hint = false} : vector<4096x64xf32>, vector<64x32xf32>, vector<4096x32xf32> -> vector<4096x32xf32>
    %get3A_17 = arith.constant 0 : index
    %get3A_18 = arith.constant 0 : index
    %get3A_19 = vector.load %arg5[%get3A_17, %get3A_18] : memref<1x32xf32, #tpu.memory_space<vmem>>, vector<1x32xf32>
    %add3A_20 = vector.broadcast %get3A_19 : vector<1x32xf32> to vector<4096x32xf32>
    %add3A_21 = arith.addf %dot_general3A_16, %add3A_20 : vector<4096x32xf32>
    %get3A_22 = arith.constant 0 : index
    %get3A_23 = arith.constant 0 : index
    %get3A_24 = vector.load %arg6[%get3A_22, %get3A_23] : memref<32x512xf32, #tpu.memory_space<vmem>>, vector<32x512xf32>
    %dot_general3A_25 = arith.constant dense<0.000000e+00> : vector<4096x512xf32>
    %dot_general3A_26 = tpu.matmul %add3A_21, %get3A_24, %dot_general3A_25 {dimension_numbers = #tpu.dot_dimension_numbers<[1], [0], [0], [1], [0, 0, 1, 1], [], []>, transpose_lhs_hint = false} : vector<4096x32xf32>, vector<32x512xf32>, vector<4096x512xf32> -> vector<4096x512xf32>
    %mul3A = arith.mulf %add3A_21, %add3A_21 : vector<4096x32xf32>
    %reduce_sum3A = arith.constant dense<0.000000e+00> : vector<4096xf32>
    %reduce_sum3A_27 = vector.multi_reduction <add>, %mul3A, %reduce_sum3A [1] : vector<4096x32xf32> to vector<4096xf32>
    %broadcast_in_dim3A = vector.shape_cast %reduce_sum3A_27 : vector<4096xf32> to vector<4096x1xf32>
    %get3A_28 = arith.constant 0 : index
    %get3A_29 = arith.constant 0 : index
    %get3A_30 = vector.load %arg6[%get3A_28, %get3A_29] : memref<32x512xf32, #tpu.memory_space<vmem>>, vector<32x512xf32>
    %mul3A_31 = arith.mulf %get3A_30, %get3A_30 : vector<32x512xf32>
    %reduce_sum3A_32 = arith.constant dense<0.000000e+00> : vector<512xf32>
    %reduce_sum3A_33 = vector.multi_reduction <add>, %mul3A_31, %reduce_sum3A_32 [0] : vector<32x512xf32> to vector<512xf32>
    %broadcast_in_dim3A_34 = vector.shape_cast %reduce_sum3A_33 : vector<512xf32> to vector<1x512xf32>
    %mul3A_35 = arith.constant 2.000000e+00 : f32
    %mul3A_36 = vector.broadcast %mul3A_35 : f32 to vector<4096x512xf32>
    %mul3A_37 = arith.mulf %mul3A_36, %dot_general3A_26 : vector<4096x512xf32>
    %sub3A = vector.broadcast %broadcast_in_dim3A : vector<4096x1xf32> to vector<4096x512xf32>
    %sub3A_38 = arith.subf %sub3A, %mul3A_37 : vector<4096x512xf32>
    %add3A_39 = vector.broadcast %broadcast_in_dim3A_34 : vector<1x512xf32> to vector<4096x512xf32>
    %add3A_40 = arith.addf %sub3A_38, %add3A_39 : vector<4096x512xf32>
    %reduce_min3A = arith.constant dense<0x7F800000> : vector<4096xf32>
    %reduce_min3A_41 = vector.multi_reduction <minimumf>, %add3A_40, %reduce_min3A [1] : vector<4096x512xf32> to vector<4096xf32>
    %broadcast_in_dim3A_42 = vector.shape_cast %reduce_min3A_41 : vector<4096xf32> to vector<4096x1xf32>
    %iota3A = tpu.iota {dimensions = array<i32: 1>} : vector<1x512xi32>
    %convert_element_type3A = arith.sitofp %iota3A : vector<1x512xi32> to vector<1x512xf32>
    %le3A = vector.broadcast %broadcast_in_dim3A_42 : vector<4096x1xf32> to vector<4096x512xf32>
    %le3A_43 = arith.cmpf ole, %add3A_40, %le3A : vector<4096x512xf32>
    %jit3A = arith.constant 5.120000e+02 : f32
    %broadcast_in_dim3A_44 = vector.shape_cast %convert_element_type3A : vector<1x512xf32> to vector<1x512xf32>
    %broadcast_in_dim3A_45 = vector.broadcast %broadcast_in_dim3A_44 : vector<1x512xf32> to vector<4096x512xf32>
    %broadcast_in_dim3A_46 = vector.broadcast %jit3A : f32 to vector<4096x512xf32>
    %select_n3A = arith.select %le3A_43, %broadcast_in_dim3A_45, %broadcast_in_dim3A_46 : vector<4096x512xi1>, vector<4096x512xf32>
    %reduce_min3A_47 = arith.constant dense<0x7F800000> : vector<4096xf32>
    %reduce_min3A_48 = vector.multi_reduction <minimumf>, %select_n3A, %reduce_min3A_47 [1] : vector<4096x512xf32> to vector<4096xf32>
    %broadcast_in_dim3A_49 = vector.shape_cast %reduce_min3A_48 : vector<4096xf32> to vector<4096x1xf32>
    %convert_element_type3A_50 = arith.fptosi %broadcast_in_dim3A_49 : vector<4096x1xf32> to vector<4096x1xi32>
    %iota3A_51 = tpu.iota {dimensions = array<i32: 0>} : vector<4096x1xi32>
    %and3A = arith.constant 31 : i32
    %and3A_52 = vector.broadcast %and3A : i32 to vector<4096x1xi32>
    %and3A_53 = arith.andi %iota3A_51, %and3A_52 : vector<4096x1xi32>
    %mul3A_54 = arith.constant 512 : i32
    %mul3A_55 = vector.broadcast %mul3A_54 : i32 to vector<4096x1xi32>
    %mul3A_56 = arith.muli %and3A_53, %mul3A_55 : vector<4096x1xi32>
    %add3A_57 = arith.addi %convert_element_type3A_50, %mul3A_56 : vector<4096x1xi32>
    %swap3A = arith.constant 0 : index
    %swap3A_58 = arith.constant 0 : index
    %swap3A_59 = vector.load %arg7[%swap3A, %swap3A_58] : memref<4096x1xi32, #tpu.memory_space<vmem>>, vector<4096x1xi32>
    tpu.vector_store %arg7[%swap3A, %swap3A_58], %add3A_57 {strides = array<i32>} : memref<4096x1xi32, #tpu.memory_space<vmem>>, vector<4096x1xi32>,
    return
  }
  func.func @transform_0(%arg0: i32) -> (i32, i32) {
    %add3A = arith.constant 16 : i32
    %add3A_0 = arith.addi %arg0, %add3A : i32
    %c0_i32 = arith.constant 0 : i32
    %c0_i32_1 = arith.constant 0 : i32
    return %add3A_0, %c0_i32 : i32, i32
  }
  func.func @transform_1(%arg0: i32) -> (i32, i32) {
    %c0_i32 = arith.constant 0 : i32
    %c0_i32_0 = arith.constant 0 : i32
    %c0_i32_1 = arith.constant 0 : i32
    return %c0_i32, %c0_i32_0 : i32, i32
  }
  func.func @transform_2(%arg0: i32) -> (i32, i32) {
    %c0_i32 = arith.constant 0 : i32
    %c0_i32_0 = arith.constant 0 : i32
    %c0_i32_1 = arith.constant 0 : i32
    return %c0_i32, %c0_i32_0 : i32, i32
  }
  func.func @transform_3(%arg0: i32) -> (i32, i32) {
    %c0_i32 = arith.constant 0 : i32
    %c0_i32_0 = arith.constant 0 : i32
    %c0_i32_1 = arith.constant 0 : i32
    return %c0_i32, %c0_i32_0 : i32, i32
  }
  func.func @transform_4(%arg0: i32) -> (i32, i32) {
    %c0_i32 = arith.constant 0 : i32
    %c0_i32_0 = arith.constant 0 : i32
    %c0_i32_1 = arith.constant 0 : i32
    return %c0_i32, %c0_i32_0 : i32, i32
  }
  func.func @transform_5(%arg0: i32) -> (i32, i32) {
    %c0_i32 = arith.constant 0 : i32
    %c0_i32_0 = arith.constant 0 : i32
    %c0_i32_1 = arith.constant 0 : i32
    return %c0_i32, %c0_i32_0 : i32, i32
  }
  func.func @transform_6(%arg0: i32) -> (i32, i32) {
    %c0_i32 = arith.constant 0 : i32
    %c0_i32_0 = arith.constant 0 : i32
    return %arg0, %c0_i32 : i32, i32
  }
}

module attributes {stable_mosaic.version = 14 : i64} {
  func.func @_table_body(%arg0: memref<512x32xf32, #tpu.memory_space<vmem>>, %arg1: memref<32x64xf32, #tpu.memory_space<vmem>>, %arg2: memref<1x64xf32, #tpu.memory_space<vmem>>, %arg3: memref<64x128xf32, #tpu.memory_space<vmem>>, %arg4: memref<1x128xf32, #tpu.memory_space<vmem>>, %arg5: memref<16384x128xf32, #tpu.memory_space<vmem>>) attributes {dimension_semantics = [], scalar_prefetch = 0 : i64, scratch_operands = 0 : i64, tpu.core_type = #tpu.core_type<tc>} {
    %get3A = arith.constant 0 : index
    %get3A_0 = arith.constant 0 : index
    %get3A_1 = vector.load %arg0[%get3A, %get3A_0] : memref<512x32xf32, #tpu.memory_space<vmem>>, vector<512x32xf32>
    %get3A_2 = arith.constant 0 : index
    %get3A_3 = arith.constant 0 : index
    %get3A_4 = vector.load %arg1[%get3A_2, %get3A_3] : memref<32x64xf32, #tpu.memory_space<vmem>>, vector<32x64xf32>
    %dot_general3A = arith.constant dense<0.000000e+00> : vector<512x64xf32>
    %dot_general3A_5 = tpu.matmul %get3A_1, %get3A_4, %dot_general3A {dimension_numbers = #tpu.dot_dimension_numbers<[1], [0], [0], [1], [0, 0, 1, 1], [], []>, transpose_lhs_hint = false} : vector<512x32xf32>, vector<32x64xf32>, vector<512x64xf32> -> vector<512x64xf32>
    %get3A_6 = arith.constant 0 : index
    %get3A_7 = arith.constant 0 : index
    %get3A_8 = vector.load %arg2[%get3A_6, %get3A_7] : memref<1x64xf32, #tpu.memory_space<vmem>>, vector<1x64xf32>
    %add3A = vector.broadcast %get3A_8 : vector<1x64xf32> to vector<512x64xf32>
    %add3A_9 = arith.addf %dot_general3A_5, %add3A : vector<512x64xf32>
    %max3A = arith.constant 0.000000e+00 : f32
    %max3A_10 = vector.broadcast %max3A : f32 to vector<512x64xf32>
    %max3A_11 = arith.maximumf %add3A_9, %max3A_10 : vector<512x64xf32>
    %get3A_12 = arith.constant 0 : index
    %get3A_13 = arith.constant 0 : index
    %get3A_14 = vector.load %arg3[%get3A_12, %get3A_13] : memref<64x128xf32, #tpu.memory_space<vmem>>, vector<64x128xf32>
    %dot_general3A_15 = arith.constant dense<0.000000e+00> : vector<512x128xf32>
    %dot_general3A_16 = tpu.matmul %max3A_11, %get3A_14, %dot_general3A_15 {dimension_numbers = #tpu.dot_dimension_numbers<[1], [0], [0], [1], [0, 0, 1, 1], [], []>, transpose_lhs_hint = false} : vector<512x64xf32>, vector<64x128xf32>, vector<512x128xf32> -> vector<512x128xf32>
    %get3A_17 = arith.constant 0 : index
    %get3A_18 = arith.constant 0 : index
    %get3A_19 = vector.load %arg4[%get3A_17, %get3A_18] : memref<1x128xf32, #tpu.memory_space<vmem>>, vector<1x128xf32>
    %add3A_20 = vector.broadcast %get3A_19 : vector<1x128xf32> to vector<512x128xf32>
    %add3A_21 = arith.addf %dot_general3A_16, %add3A_20 : vector<512x128xf32>
    %swap3A = arith.constant 0 : index
    %swap3A_22 = arith.constant 0 : index
    %swap3A_23 = vector.load %arg5[%swap3A, %swap3A_22] : memref<16384x128xf32, #tpu.memory_space<vmem>>, vector<512x128xf32>
    tpu.vector_store %arg5[%swap3A, %swap3A_22], %add3A_21 {strides = array<i32>} : memref<16384x128xf32, #tpu.memory_space<vmem>>, vector<512x128xf32>,
    %swap3A_24 = arith.constant 512 : index
    %swap3A_25 = arith.constant 0 : index
    %swap3A_26 = vector.load %arg5[%swap3A_24, %swap3A_25] : memref<16384x128xf32, #tpu.memory_space<vmem>>, vector<512x128xf32>
    tpu.vector_store %arg5[%swap3A_24, %swap3A_25], %add3A_21 {strides = array<i32>} : memref<16384x128xf32, #tpu.memory_space<vmem>>, vector<512x128xf32>,
    %swap3A_27 = arith.constant 1024 : index
    %swap3A_28 = arith.constant 0 : index
    %swap3A_29 = vector.load %arg5[%swap3A_27, %swap3A_28] : memref<16384x128xf32, #tpu.memory_space<vmem>>, vector<512x128xf32>
    tpu.vector_store %arg5[%swap3A_27, %swap3A_28], %add3A_21 {strides = array<i32>} : memref<16384x128xf32, #tpu.memory_space<vmem>>, vector<512x128xf32>,
    %swap3A_30 = arith.constant 1536 : index
    %swap3A_31 = arith.constant 0 : index
    %swap3A_32 = vector.load %arg5[%swap3A_30, %swap3A_31] : memref<16384x128xf32, #tpu.memory_space<vmem>>, vector<512x128xf32>
    tpu.vector_store %arg5[%swap3A_30, %swap3A_31], %add3A_21 {strides = array<i32>} : memref<16384x128xf32, #tpu.memory_space<vmem>>, vector<512x128xf32>,
    %swap3A_33 = arith.constant 2048 : index
    %swap3A_34 = arith.constant 0 : index
    %swap3A_35 = vector.load %arg5[%swap3A_33, %swap3A_34] : memref<16384x128xf32, #tpu.memory_space<vmem>>, vector<512x128xf32>
    tpu.vector_store %arg5[%swap3A_33, %swap3A_34], %add3A_21 {strides = array<i32>} : memref<16384x128xf32, #tpu.memory_space<vmem>>, vector<512x128xf32>,
    %swap3A_36 = arith.constant 2560 : index
    %swap3A_37 = arith.constant 0 : index
    %swap3A_38 = vector.load %arg5[%swap3A_36, %swap3A_37] : memref<16384x128xf32, #tpu.memory_space<vmem>>, vector<512x128xf32>
    tpu.vector_store %arg5[%swap3A_36, %swap3A_37], %add3A_21 {strides = array<i32>} : memref<16384x128xf32, #tpu.memory_space<vmem>>, vector<512x128xf32>,
    %swap3A_39 = arith.constant 3072 : index
    %swap3A_40 = arith.constant 0 : index
    %swap3A_41 = vector.load %arg5[%swap3A_39, %swap3A_40] : memref<16384x128xf32, #tpu.memory_space<vmem>>, vector<512x128xf32>
    tpu.vector_store %arg5[%swap3A_39, %swap3A_40], %add3A_21 {strides = array<i32>} : memref<16384x128xf32, #tpu.memory_space<vmem>>, vector<512x128xf32>,
    %swap3A_42 = arith.constant 3584 : index
    %swap3A_43 = arith.constant 0 : index
    %swap3A_44 = vector.load %arg5[%swap3A_42, %swap3A_43] : memref<16384x128xf32, #tpu.memory_space<vmem>>, vector<512x128xf32>
    tpu.vector_store %arg5[%swap3A_42, %swap3A_43], %add3A_21 {strides = array<i32>} : memref<16384x128xf32, #tpu.memory_space<vmem>>, vector<512x128xf32>,
    %swap3A_45 = arith.constant 4096 : index
    %swap3A_46 = arith.constant 0 : index
    %swap3A_47 = vector.load %arg5[%swap3A_45, %swap3A_46] : memref<16384x128xf32, #tpu.memory_space<vmem>>, vector<512x128xf32>
    tpu.vector_store %arg5[%swap3A_45, %swap3A_46], %add3A_21 {strides = array<i32>} : memref<16384x128xf32, #tpu.memory_space<vmem>>, vector<512x128xf32>,
    %swap3A_48 = arith.constant 4608 : index
    %swap3A_49 = arith.constant 0 : index
    %swap3A_50 = vector.load %arg5[%swap3A_48, %swap3A_49] : memref<16384x128xf32, #tpu.memory_space<vmem>>, vector<512x128xf32>
    tpu.vector_store %arg5[%swap3A_48, %swap3A_49], %add3A_21 {strides = array<i32>} : memref<16384x128xf32, #tpu.memory_space<vmem>>, vector<512x128xf32>,
    %swap3A_51 = arith.constant 5120 : index
    %swap3A_52 = arith.constant 0 : index
    %swap3A_53 = vector.load %arg5[%swap3A_51, %swap3A_52] : memref<16384x128xf32, #tpu.memory_space<vmem>>, vector<512x128xf32>
    tpu.vector_store %arg5[%swap3A_51, %swap3A_52], %add3A_21 {strides = array<i32>} : memref<16384x128xf32, #tpu.memory_space<vmem>>, vector<512x128xf32>,
    %swap3A_54 = arith.constant 5632 : index
    %swap3A_55 = arith.constant 0 : index
    %swap3A_56 = vector.load %arg5[%swap3A_54, %swap3A_55] : memref<16384x128xf32, #tpu.memory_space<vmem>>, vector<512x128xf32>
    tpu.vector_store %arg5[%swap3A_54, %swap3A_55], %add3A_21 {strides = array<i32>} : memref<16384x128xf32, #tpu.memory_space<vmem>>, vector<512x128xf32>,
    %swap3A_57 = arith.constant 6144 : index
    %swap3A_58 = arith.constant 0 : index
    %swap3A_59 = vector.load %arg5[%swap3A_57, %swap3A_58] : memref<16384x128xf32, #tpu.memory_space<vmem>>, vector<512x128xf32>
    tpu.vector_store %arg5[%swap3A_57, %swap3A_58], %add3A_21 {strides = array<i32>} : memref<16384x128xf32, #tpu.memory_space<vmem>>, vector<512x128xf32>,
    %swap3A_60 = arith.constant 6656 : index
    %swap3A_61 = arith.constant 0 : index
    %swap3A_62 = vector.load %arg5[%swap3A_60, %swap3A_61] : memref<16384x128xf32, #tpu.memory_space<vmem>>, vector<512x128xf32>
    tpu.vector_store %arg5[%swap3A_60, %swap3A_61], %add3A_21 {strides = array<i32>} : memref<16384x128xf32, #tpu.memory_space<vmem>>, vector<512x128xf32>,
    %swap3A_63 = arith.constant 7168 : index
    %swap3A_64 = arith.constant 0 : index
    %swap3A_65 = vector.load %arg5[%swap3A_63, %swap3A_64] : memref<16384x128xf32, #tpu.memory_space<vmem>>, vector<512x128xf32>
    tpu.vector_store %arg5[%swap3A_63, %swap3A_64], %add3A_21 {strides = array<i32>} : memref<16384x128xf32, #tpu.memory_space<vmem>>, vector<512x128xf32>,
    %swap3A_66 = arith.constant 7680 : index
    %swap3A_67 = arith.constant 0 : index
    %swap3A_68 = vector.load %arg5[%swap3A_66, %swap3A_67] : memref<16384x128xf32, #tpu.memory_space<vmem>>, vector<512x128xf32>
    tpu.vector_store %arg5[%swap3A_66, %swap3A_67], %add3A_21 {strides = array<i32>} : memref<16384x128xf32, #tpu.memory_space<vmem>>, vector<512x128xf32>,
    %swap3A_69 = arith.constant 8192 : index
    %swap3A_70 = arith.constant 0 : index
    %swap3A_71 = vector.load %arg5[%swap3A_69, %swap3A_70] : memref<16384x128xf32, #tpu.memory_space<vmem>>, vector<512x128xf32>
    tpu.vector_store %arg5[%swap3A_69, %swap3A_70], %add3A_21 {strides = array<i32>} : memref<16384x128xf32, #tpu.memory_space<vmem>>, vector<512x128xf32>,
    %swap3A_72 = arith.constant 8704 : index
    %swap3A_73 = arith.constant 0 : index
    %swap3A_74 = vector.load %arg5[%swap3A_72, %swap3A_73] : memref<16384x128xf32, #tpu.memory_space<vmem>>, vector<512x128xf32>
    tpu.vector_store %arg5[%swap3A_72, %swap3A_73], %add3A_21 {strides = array<i32>} : memref<16384x128xf32, #tpu.memory_space<vmem>>, vector<512x128xf32>,
    %swap3A_75 = arith.constant 9216 : index
    %swap3A_76 = arith.constant 0 : index
    %swap3A_77 = vector.load %arg5[%swap3A_75, %swap3A_76] : memref<16384x128xf32, #tpu.memory_space<vmem>>, vector<512x128xf32>
    tpu.vector_store %arg5[%swap3A_75, %swap3A_76], %add3A_21 {strides = array<i32>} : memref<16384x128xf32, #tpu.memory_space<vmem>>, vector<512x128xf32>,
    %swap3A_78 = arith.constant 9728 : index
    %swap3A_79 = arith.constant 0 : index
    %swap3A_80 = vector.load %arg5[%swap3A_78, %swap3A_79] : memref<16384x128xf32, #tpu.memory_space<vmem>>, vector<512x128xf32>
    tpu.vector_store %arg5[%swap3A_78, %swap3A_79], %add3A_21 {strides = array<i32>} : memref<16384x128xf32, #tpu.memory_space<vmem>>, vector<512x128xf32>,
    %swap3A_81 = arith.constant 10240 : index
    %swap3A_82 = arith.constant 0 : index
    %swap3A_83 = vector.load %arg5[%swap3A_81, %swap3A_82] : memref<16384x128xf32, #tpu.memory_space<vmem>>, vector<512x128xf32>
    tpu.vector_store %arg5[%swap3A_81, %swap3A_82], %add3A_21 {strides = array<i32>} : memref<16384x128xf32, #tpu.memory_space<vmem>>, vector<512x128xf32>,
    %swap3A_84 = arith.constant 10752 : index
    %swap3A_85 = arith.constant 0 : index
    %swap3A_86 = vector.load %arg5[%swap3A_84, %swap3A_85] : memref<16384x128xf32, #tpu.memory_space<vmem>>, vector<512x128xf32>
    tpu.vector_store %arg5[%swap3A_84, %swap3A_85], %add3A_21 {strides = array<i32>} : memref<16384x128xf32, #tpu.memory_space<vmem>>, vector<512x128xf32>,
    %swap3A_87 = arith.constant 11264 : index
    %swap3A_88 = arith.constant 0 : index
    %swap3A_89 = vector.load %arg5[%swap3A_87, %swap3A_88] : memref<16384x128xf32, #tpu.memory_space<vmem>>, vector<512x128xf32>
    tpu.vector_store %arg5[%swap3A_87, %swap3A_88], %add3A_21 {strides = array<i32>} : memref<16384x128xf32, #tpu.memory_space<vmem>>, vector<512x128xf32>,
    %swap3A_90 = arith.constant 11776 : index
    %swap3A_91 = arith.constant 0 : index
    %swap3A_92 = vector.load %arg5[%swap3A_90, %swap3A_91] : memref<16384x128xf32, #tpu.memory_space<vmem>>, vector<512x128xf32>
    tpu.vector_store %arg5[%swap3A_90, %swap3A_91], %add3A_21 {strides = array<i32>} : memref<16384x128xf32, #tpu.memory_space<vmem>>, vector<512x128xf32>,
    %swap3A_93 = arith.constant 12288 : index
    %swap3A_94 = arith.constant 0 : index
    %swap3A_95 = vector.load %arg5[%swap3A_93, %swap3A_94] : memref<16384x128xf32, #tpu.memory_space<vmem>>, vector<512x128xf32>
    tpu.vector_store %arg5[%swap3A_93, %swap3A_94], %add3A_21 {strides = array<i32>} : memref<16384x128xf32, #tpu.memory_space<vmem>>, vector<512x128xf32>,
    %swap3A_96 = arith.constant 12800 : index
    %swap3A_97 = arith.constant 0 : index
    %swap3A_98 = vector.load %arg5[%swap3A_96, %swap3A_97] : memref<16384x128xf32, #tpu.memory_space<vmem>>, vector<512x128xf32>
    tpu.vector_store %arg5[%swap3A_96, %swap3A_97], %add3A_21 {strides = array<i32>} : memref<16384x128xf32, #tpu.memory_space<vmem>>, vector<512x128xf32>,
    %swap3A_99 = arith.constant 13312 : index
    %swap3A_100 = arith.constant 0 : index
    %swap3A_101 = vector.load %arg5[%swap3A_99, %swap3A_100] : memref<16384x128xf32, #tpu.memory_space<vmem>>, vector<512x128xf32>
    tpu.vector_store %arg5[%swap3A_99, %swap3A_100], %add3A_21 {strides = array<i32>} : memref<16384x128xf32, #tpu.memory_space<vmem>>, vector<512x128xf32>,
    %swap3A_102 = arith.constant 13824 : index
    %swap3A_103 = arith.constant 0 : index
    %swap3A_104 = vector.load %arg5[%swap3A_102, %swap3A_103] : memref<16384x128xf32, #tpu.memory_space<vmem>>, vector<512x128xf32>
    tpu.vector_store %arg5[%swap3A_102, %swap3A_103], %add3A_21 {strides = array<i32>} : memref<16384x128xf32, #tpu.memory_space<vmem>>, vector<512x128xf32>,
    %swap3A_105 = arith.constant 14336 : index
    %swap3A_106 = arith.constant 0 : index
    %swap3A_107 = vector.load %arg5[%swap3A_105, %swap3A_106] : memref<16384x128xf32, #tpu.memory_space<vmem>>, vector<512x128xf32>
    tpu.vector_store %arg5[%swap3A_105, %swap3A_106], %add3A_21 {strides = array<i32>} : memref<16384x128xf32, #tpu.memory_space<vmem>>, vector<512x128xf32>,
    %swap3A_108 = arith.constant 14848 : index
    %swap3A_109 = arith.constant 0 : index
    %swap3A_110 = vector.load %arg5[%swap3A_108, %swap3A_109] : memref<16384x128xf32, #tpu.memory_space<vmem>>, vector<512x128xf32>
    tpu.vector_store %arg5[%swap3A_108, %swap3A_109], %add3A_21 {strides = array<i32>} : memref<16384x128xf32, #tpu.memory_space<vmem>>, vector<512x128xf32>,
    %swap3A_111 = arith.constant 15360 : index
    %swap3A_112 = arith.constant 0 : index
    %swap3A_113 = vector.load %arg5[%swap3A_111, %swap3A_112] : memref<16384x128xf32, #tpu.memory_space<vmem>>, vector<512x128xf32>
    tpu.vector_store %arg5[%swap3A_111, %swap3A_112], %add3A_21 {strides = array<i32>} : memref<16384x128xf32, #tpu.memory_space<vmem>>, vector<512x128xf32>,
    %swap3A_114 = arith.constant 15872 : index
    %swap3A_115 = arith.constant 0 : index
    %swap3A_116 = vector.load %arg5[%swap3A_114, %swap3A_115] : memref<16384x128xf32, #tpu.memory_space<vmem>>, vector<512x128xf32>
    tpu.vector_store %arg5[%swap3A_114, %swap3A_115], %add3A_21 {strides = array<i32>} : memref<16384x128xf32, #tpu.memory_space<vmem>>, vector<512x128xf32>,
    return
  }
}

module attributes {stable_mosaic.version = 14 : i64} {
  func.func @_encode_body(%arg0: i32, %arg1: memref<4096x96xf32, #tpu.memory_space<vmem>>, %arg2: memref<96x64xf32, #tpu.memory_space<vmem>>, %arg3: memref<1x64xf32, #tpu.memory_space<vmem>>, %arg4: memref<64x32xf32, #tpu.memory_space<vmem>>, %arg5: memref<1x32xf32, #tpu.memory_space<vmem>>, %arg6: memref<32x512xf32, #tpu.memory_space<vmem>>, %arg7: memref<4096x1xi32, #tpu.memory_space<vmem>>) attributes {dimension_semantics = [#tpu.dimension_semantics<arbitrary>], iteration_bounds = array<i64: 16>, scalar_prefetch = 0 : i64, scratch_operands = 0 : i64, tpu.core_type = #tpu.core_type<tc>, window_params = [{transform_indices = @transform_0, window_bounds = array<i64: 4096, 96>}, {pipeline_mode = #tpu.pipeline_mode<synchronous>, transform_indices = @transform_1, window_bounds = array<i64: 96, 64>}, {pipeline_mode = #tpu.pipeline_mode<synchronous>, transform_indices = @transform_2, window_bounds = array<i64: 1, 64>}, {pipeline_mode = #tpu.pipeline_mode<synchronous>, transform_indices = @transform_3, window_bounds = array<i64: 64, 32>}, {pipeline_mode = #tpu.pipeline_mode<synchronous>, transform_indices = @transform_4, window_bounds = array<i64: 1, 32>}, {pipeline_mode = #tpu.pipeline_mode<synchronous>, transform_indices = @transform_5, window_bounds = array<i64: 32, 512>}, {transform_indices = @transform_6, window_bounds = array<i64: 4096, 1>}]} {
    %get3A = arith.constant 0 : index
    %get3A_0 = arith.constant 0 : index
    %get3A_1 = vector.load %arg1[%get3A, %get3A_0] : memref<4096x96xf32, #tpu.memory_space<vmem>>, vector<4096x96xf32>
    %get3A_2 = arith.constant 0 : index
    %get3A_3 = arith.constant 0 : index
    %get3A_4 = vector.load %arg2[%get3A_2, %get3A_3] : memref<96x64xf32, #tpu.memory_space<vmem>>, vector<96x64xf32>
    %dot_general3A = arith.constant dense<0.000000e+00> : vector<4096x64xf32>
    %dot_general3A_5 = tpu.matmul %get3A_1, %get3A_4, %dot_general3A {dimension_numbers = #tpu.dot_dimension_numbers<[1], [0], [0], [1], [0, 0, 1, 1], [], []>, transpose_lhs_hint = false} : vector<4096x96xf32>, vector<96x64xf32>, vector<4096x64xf32> -> vector<4096x64xf32>
    %get3A_6 = arith.constant 0 : index
    %get3A_7 = arith.constant 0 : index
    %get3A_8 = vector.load %arg3[%get3A_6, %get3A_7] : memref<1x64xf32, #tpu.memory_space<vmem>>, vector<1x64xf32>
    %add3A = vector.broadcast %get3A_8 : vector<1x64xf32> to vector<4096x64xf32>
    %add3A_9 = arith.addf %dot_general3A_5, %add3A : vector<4096x64xf32>
    %max3A = arith.constant 0.000000e+00 : f32
    %max3A_10 = vector.broadcast %max3A : f32 to vector<4096x64xf32>
    %max3A_11 = arith.maximumf %add3A_9, %max3A_10 : vector<4096x64xf32>
    %get3A_12 = arith.constant 0 : index
    %get3A_13 = arith.constant 0 : index
    %get3A_14 = vector.load %arg4[%get3A_12, %get3A_13] : memref<64x32xf32, #tpu.memory_space<vmem>>, vector<64x32xf32>
    %dot_general3A_15 = arith.constant dense<0.000000e+00> : vector<4096x32xf32>
    %dot_general3A_16 = tpu.matmul %max3A_11, %get3A_14, %dot_general3A_15 {dimension_numbers = #tpu.dot_dimension_numbers<[1], [0], [0], [1], [0, 0, 1, 1], [], []>, transpose_lhs_hint = false} : vector<4096x64xf32>, vector<64x32xf32>, vector<4096x32xf32> -> vector<4096x32xf32>
    %get3A_17 = arith.constant 0 : index
    %get3A_18 = arith.constant 0 : index
    %get3A_19 = vector.load %arg5[%get3A_17, %get3A_18] : memref<1x32xf32, #tpu.memory_space<vmem>>, vector<1x32xf32>
    %add3A_20 = vector.broadcast %get3A_19 : vector<1x32xf32> to vector<4096x32xf32>
    %add3A_21 = arith.addf %dot_general3A_16, %add3A_20 : vector<4096x32xf32>
    %get3A_22 = arith.constant 0 : index
    %get3A_23 = arith.constant 0 : index
    %get3A_24 = vector.load %arg6[%get3A_22, %get3A_23] : memref<32x512xf32, #tpu.memory_space<vmem>>, vector<32x512xf32>
    %dot_general3A_25 = arith.constant dense<0.000000e+00> : vector<4096x512xf32>
    %dot_general3A_26 = tpu.matmul %add3A_21, %get3A_24, %dot_general3A_25 {dimension_numbers = #tpu.dot_dimension_numbers<[1], [0], [0], [1], [0, 0, 1, 1], [], []>, transpose_lhs_hint = false} : vector<4096x32xf32>, vector<32x512xf32>, vector<4096x512xf32> -> vector<4096x512xf32>
    %mul3A = arith.mulf %add3A_21, %add3A_21 : vector<4096x32xf32>
    %reduce_sum3A = arith.constant dense<0.000000e+00> : vector<4096xf32>
    %reduce_sum3A_27 = vector.multi_reduction <add>, %mul3A, %reduce_sum3A [1] : vector<4096x32xf32> to vector<4096xf32>
    %broadcast_in_dim3A = vector.shape_cast %reduce_sum3A_27 : vector<4096xf32> to vector<4096x1xf32>
    %get3A_28 = arith.constant 0 : index
    %get3A_29 = arith.constant 0 : index
    %get3A_30 = vector.load %arg6[%get3A_28, %get3A_29] : memref<32x512xf32, #tpu.memory_space<vmem>>, vector<32x512xf32>
    %mul3A_31 = arith.mulf %get3A_30, %get3A_30 : vector<32x512xf32>
    %reduce_sum3A_32 = arith.constant dense<0.000000e+00> : vector<512xf32>
    %reduce_sum3A_33 = vector.multi_reduction <add>, %mul3A_31, %reduce_sum3A_32 [0] : vector<32x512xf32> to vector<512xf32>
    %broadcast_in_dim3A_34 = vector.shape_cast %reduce_sum3A_33 : vector<512xf32> to vector<1x512xf32>
    %mul3A_35 = arith.constant 2.000000e+00 : f32
    %mul3A_36 = vector.broadcast %mul3A_35 : f32 to vector<4096x512xf32>
    %mul3A_37 = arith.mulf %mul3A_36, %dot_general3A_26 : vector<4096x512xf32>
    %sub3A = vector.broadcast %broadcast_in_dim3A : vector<4096x1xf32> to vector<4096x512xf32>
    %sub3A_38 = arith.subf %sub3A, %mul3A_37 : vector<4096x512xf32>
    %add3A_39 = vector.broadcast %broadcast_in_dim3A_34 : vector<1x512xf32> to vector<4096x512xf32>
    %add3A_40 = arith.addf %sub3A_38, %add3A_39 : vector<4096x512xf32>
    %reduce_min3A = arith.constant dense<0x7F800000> : vector<4096xf32>
    %reduce_min3A_41 = vector.multi_reduction <minimumf>, %add3A_40, %reduce_min3A [1] : vector<4096x512xf32> to vector<4096xf32>
    %broadcast_in_dim3A_42 = vector.shape_cast %reduce_min3A_41 : vector<4096xf32> to vector<4096x1xf32>
    %iota3A = tpu.iota {dimensions = array<i32: 1>} : vector<1x512xi32>
    %convert_element_type3A = arith.sitofp %iota3A : vector<1x512xi32> to vector<1x512xf32>
    %le3A = vector.broadcast %broadcast_in_dim3A_42 : vector<4096x1xf32> to vector<4096x512xf32>
    %le3A_43 = arith.cmpf ole, %add3A_40, %le3A : vector<4096x512xf32>
    %jit3A = arith.constant 5.120000e+02 : f32
    %broadcast_in_dim3A_44 = vector.shape_cast %convert_element_type3A : vector<1x512xf32> to vector<1x512xf32>
    %broadcast_in_dim3A_45 = vector.broadcast %broadcast_in_dim3A_44 : vector<1x512xf32> to vector<4096x512xf32>
    %broadcast_in_dim3A_46 = vector.broadcast %jit3A : f32 to vector<4096x512xf32>
    %select_n3A = arith.select %le3A_43, %broadcast_in_dim3A_45, %broadcast_in_dim3A_46 : vector<4096x512xi1>, vector<4096x512xf32>
    %reduce_min3A_47 = arith.constant dense<0x7F800000> : vector<4096xf32>
    %reduce_min3A_48 = vector.multi_reduction <minimumf>, %select_n3A, %reduce_min3A_47 [1] : vector<4096x512xf32> to vector<4096xf32>
    %broadcast_in_dim3A_49 = vector.shape_cast %reduce_min3A_48 : vector<4096xf32> to vector<4096x1xf32>
    %convert_element_type3A_50 = arith.fptosi %broadcast_in_dim3A_49 : vector<4096x1xf32> to vector<4096x1xi32>
    %iota3A_51 = tpu.iota {dimensions = array<i32: 0>} : vector<4096x1xi32>
    %and3A = arith.constant 31 : i32
    %and3A_52 = vector.broadcast %and3A : i32 to vector<4096x1xi32>
    %and3A_53 = arith.andi %iota3A_51, %and3A_52 : vector<4096x1xi32>
    %mul3A_54 = arith.constant 512 : i32
    %mul3A_55 = vector.broadcast %mul3A_54 : i32 to vector<4096x1xi32>
    %mul3A_56 = arith.muli %and3A_53, %mul3A_55 : vector<4096x1xi32>
    %add3A_57 = arith.addi %convert_element_type3A_50, %mul3A_56 : vector<4096x1xi32>
    %swap3A = arith.constant 0 : index
    %swap3A_58 = arith.constant 0 : index
    %swap3A_59 = vector.load %arg7[%swap3A, %swap3A_58] : memref<4096x1xi32, #tpu.memory_space<vmem>>, vector<4096x1xi32>
    tpu.vector_store %arg7[%swap3A, %swap3A_58], %add3A_57 {strides = array<i32>} : memref<4096x1xi32, #tpu.memory_space<vmem>>, vector<4096x1xi32>,
    return
  }
  func.func @transform_0(%arg0: i32) -> (i32, i32) {
    %add3A = arith.constant 0 : i32
    %add3A_0 = arith.addi %arg0, %add3A : i32
    %c0_i32 = arith.constant 0 : i32
    %c0_i32_1 = arith.constant 0 : i32
    return %add3A_0, %c0_i32 : i32, i32
  }
  func.func @transform_1(%arg0: i32) -> (i32, i32) {
    %c0_i32 = arith.constant 0 : i32
    %c0_i32_0 = arith.constant 0 : i32
    %c0_i32_1 = arith.constant 0 : i32
    return %c0_i32, %c0_i32_0 : i32, i32
  }
  func.func @transform_2(%arg0: i32) -> (i32, i32) {
    %c0_i32 = arith.constant 0 : i32
    %c0_i32_0 = arith.constant 0 : i32
    %c0_i32_1 = arith.constant 0 : i32
    return %c0_i32, %c0_i32_0 : i32, i32
  }
  func.func @transform_3(%arg0: i32) -> (i32, i32) {
    %c0_i32 = arith.constant 0 : i32
    %c0_i32_0 = arith.constant 0 : i32
    %c0_i32_1 = arith.constant 0 : i32
    return %c0_i32, %c0_i32_0 : i32, i32
  }
  func.func @transform_4(%arg0: i32) -> (i32, i32) {
    %c0_i32 = arith.constant 0 : i32
    %c0_i32_0 = arith.constant 0 : i32
    %c0_i32_1 = arith.constant 0 : i32
    return %c0_i32, %c0_i32_0 : i32, i32
  }
  func.func @transform_5(%arg0: i32) -> (i32, i32) {
    %c0_i32 = arith.constant 0 : i32
    %c0_i32_0 = arith.constant 0 : i32
    %c0_i32_1 = arith.constant 0 : i32
    return %c0_i32, %c0_i32_0 : i32, i32
  }
  func.func @transform_6(%arg0: i32) -> (i32, i32) {
    %c0_i32 = arith.constant 0 : i32
    %c0_i32_0 = arith.constant 0 : i32
    return %arg0, %c0_i32 : i32, i32
  }
}

</mosaic_0001>

<sc_bundles>
// kernel: kernel.10.cloned.1.call-start
scs
__scs_entry_jumppad:
0x0: {  	(pc) =	sbr.rel $0x88, $3  }
0x1: {  	(tag) =	ssettag $0x0;
	lr =	simm.s32 $0x1  }
0x2: {  	[smem:$0x3F97] =	sst lr;
	_ =	strace $0xD0000000  }
0x3: {  	_ = 	snop  }
0x4: {  	_ = 	snop  }
0x5: {  	_ = 	snop  }
0x6: {  	_ = 	snop  }
0x7: {  	_ = 	snop  }
__scs_overlays_trampoline_lowered:
0x8: {  	[smem:$0x3FA6] =	sst s0  }
0x9: {  	[smem:$0x3FA7] =	sst s1  }
0xa: {  	[smem:$0x3FA8] =	sst s2  }
0xb: {  	[smem:$0x3FA9] =	sst s3  }
0xc: {  	[smem:$0x3FAA] =	sst s4  }
0xd: {  	[smem:$0x3FAB] =	sst s5  }
0xe: {  	[smem:$0x3FAC] =	sst s6  }
0xf: {  	[smem:$0x3FAD] =	sst s7  }
0x10: {  	[smem:$0x3FAE] =	sst s8  }
0x11: {  	[smem:$0x3FAF] =	sst s9;
	s0 =	simm.s32 @!p0 $0x0  }
0x12: {  	s1 =	sld [smem:$0x3F95];
	s0 =	simm.s32 @p0 $0x1  }
0x13: {  	[smem:$0x3FB0] =	sst s0;
	s0 =	simm.s32 @!p1 $0x0  }
0x14: {  	s2 =	sld [smem:$0x3F94];
	s0 =	simm.s32 @p1 $0x1  }
0x15: {  	[smem:$0x3FB1] =	sst s0;
	s0 =	simm.s32 @!p2 $0x0  }
0x16: {  	s3 =	sld [smem:$0x3FDB];
	s0 =	simm.s32 @p2 $0x1  }
0x17: {  	s4 =	simm.s32 $0x1BF5;
	[smem:$0x3FB3] =	sst s0  }
0x18: {  	s0 =	sld [smem:$0x3F96];
	_ =	swait.ge [sflag:s4], $0x0  }
0x19: {  	s7 =	sld [smem:$0x3F97]  }
0x1a: {  	s8 =	sadd.s32 $0xFFFFE003, lr  }
0x1b: {  	s9 =	sadd.s32 $0xFFFFFEF7, lr;
	s5 =	simm.s32 $0xFFFFFFFF;
	p2 =	slt.u32 s8, $0xFFFFF086  }
0x1c: {  	p1 =	slt.u32 s9, $0xF7A;
	s5 =	simm.s32 @!p2 $0x0  }
0x1d: {  	s5 =	simm.s32 @p1 $0x1;
	p0 =	seq.s32 s7, s2  }
0x1e: {  	s7 =	smul.u32 @!p0 $0xF7A, s2;
	p2 =	seq.s32 @!p0 s5, $0x0  }
0x1f: {  	s9 =	smul.u32 $0xF7A, s1;
	s8 =	simm.s32 @!p0 $0x1BF5;
	p2 =	por !p2, p0  }
0x20: {  	[sflag:s8] =	ssyncset.s32 @!p0 $0xFFFFF086;
	s6 =	sadd.s32 @!p0 s3, s7;
	s7 =	simm.s32 @!p0 $0x108  }
0x21: {  	s3 =	sadd.s32 s3, s9;
	s6 =	sadd.s32 @!p0 $0x88, s6;
	s7 =	simm.s32 @p2 $0x1082  }
0x22: {  	[simem:s7], [sflag:s8] =	dma.local @!p0 [hbm:s6], $0xF7A  }
0x23: {  	s9 =	sor.u32 $0xD0000000, s2;
	s6 =	simm.s32 $0x108;
	_ =	swait.ge @!p0 [sflag:s8], $0x0  }
0x24: {  	s3 =	sadd.s32 $0x88, s3;
	s6 =	simm.s32 @!p1 $0x1082;
	[sflag:s4] =	ssyncset.s32 $0xFFFFF086  }
0x25: {  	[simem:s6], [sflag:s4] =	dma.local [hbm:s3], $0xF7A  }
0x26: {  	[smem:$0x3F97] =	sst s1;
	(tag) =	ssettag s2;
	_ =	strace s9  }
0x27: {  	s1 =	sld [smem:$0x3FA7]  }
0x28: {  	s2 =	sld [smem:$0x3FA8]  }
0x29: {  	s4 =	sld [smem:$0x3FAA]  }
0x2a: {  	p0 =	seq.s32 s5, $0x0;
	s5 =	sld [smem:$0x3FAB]  }
0x2b: {  	s6 =	sld [smem:$0x3FAC]  }
0x2c: {  	s7 =	sld [smem:$0x3FAD]  }
0x2d: {  	s3 =	simm.s32 $0x108;
	s8 =	sld [smem:$0x3FAE]  }
0x2e: {  	s3 =	simm.s32 @!p0 $0x1082;
	s9 =	sld [smem:$0x3FAF]  }
0x2f: {  	lr =	sadd.s32 s0, s3;
	s0 =	sld [smem:$0x3FA6]  }
0x30: {  	s3 =	sld [smem:$0x3FA9]  }
0x31: {  	[smem:$0x3FB2] =	sst s10  }
0x32: {  	s10 =	sld [smem:$0x3FB0];
	_ =	sdelay $0x3  }
0x33: {  	p0 =	seq.s32 s10, $0x1;
	s10 =	sld [smem:$0x3FB2];
	_ =	sdelay $0x3  }
0x34: {  	[smem:$0x3FB2] =	sst s10  }
0x35: {  	s10 =	sld [smem:$0x3FB1];
	_ =	sdelay $0x3  }
0x36: {  	p1 =	seq.s32 s10, $0x1;
	s10 =	sld [smem:$0x3FB2];
	_ =	sdelay $0x3  }
0x37: {  	[smem:$0x3FB2] =	sst s10  }
0x38: {  	s10 =	sld [smem:$0x3FB3]  }
0x39: {  	_ = 	snop;
	(pc) =	sbr.ind lr, $3  }
0x3a: {  	_ = 	snop  }
0x3b: {  	_ = 	snop  }
0x3c: {  	p2 =	seq.s32 s10, $0x1;
	s10 =	sld [smem:$0x3FB2]  }
0x3d: {  	_ =	shalt  }
0x3e: {  	_ =	shalt  }
0x3f: {  	_ =	shalt  }
0x40: {  	_ =	shalt  }
0x41: {  	_ =	shalt  }
0x42: {  	_ =	shalt  }
0x43: {  	_ =	shalt  }
0x44: {  	_ =	shalt  }
0x45: {  	_ =	shalt  }
0x46: {  	_ =	shalt  }
0x47: {  	_ =	shalt  }
0x48: {  	_ =	shalt  }
0x49: {  	_ =	shalt  }
0x4a: {  	_ =	shalt  }
0x4b: {  	_ =	shalt  }
0x4c: {  	_ =	shalt  }
0x4d: {  	_ =	shalt  }
0x4e: {  	_ =	shalt  }
0x4f: {  	_ =	shalt  }
0x50: {  	_ =	shalt  }
0x51: {  	_ =	shalt  }
0x52: {  	_ =	shalt  }
0x53: {  	_ =	shalt  }
0x54: {  	_ =	shalt  }
0x55: {  	_ =	shalt  }
0x56: {  	_ =	shalt  }
0x57: {  	_ =	shalt  }
0x58: {  	_ =	shalt  }
0x59: {  	_ =	shalt  }
0x5a: {  	_ =	shalt  }
0x5b: {  	_ =	shalt  }
0x5c: {  	_ =	shalt  }
0x5d: {  	_ =	shalt  }
0x5e: {  	_ =	shalt  }
0x5f: {  	_ =	shalt  }
0x60: {  	_ =	shalt  }
0x61: {  	_ =	shalt  }
0x62: {  	_ =	shalt  }
0x63: {  	_ =	shalt  }
0x64: {  	_ =	shalt  }
0x65: {  	_ =	shalt  }
0x66: {  	_ =	shalt  }
0x67: {  	_ =	shalt  }
0x68: {  	_ =	shalt  }
0x69: {  	_ =	shalt  }
0x6a: {  	_ =	shalt  }
0x6b: {  	_ =	shalt  }
0x6c: {  	_ =	shalt  }
0x6d: {  	_ =	shalt  }
0x6e: {  	_ =	shalt  }
0x6f: {  	_ =	shalt  }
0x70: {  	_ =	shalt  }
0x71: {  	_ =	shalt  }
0x72: {  	_ =	shalt  }
0x73: {  	_ =	shalt  }
0x74: {  	_ =	shalt  }
0x75: {  	_ =	shalt  }
0x76: {  	_ =	shalt  }
0x77: {  	_ =	shalt  }
0x78: {  	_ =	shalt  }
0x79: {  	_ =	shalt  }
0x7a: {  	_ =	shalt  }
0x7b: {  	_ =	shalt  }
0x7c: {  	_ =	shalt  }
0x7d: {  	_ =	shalt  }
0x7e: {  	_ =	shalt  }
0x7f: {  	_ =	shalt  }
0x80: {  	_ =	shalt  }
0x81: {  	_ =	shalt  }
0x82: {  	_ =	shalt  }
0x83: {  	_ =	shalt  }
0x84: {  	_ =	shalt  }
0x85: {  	_ =	shalt  }
0x86: {  	_ =	shalt  }
0x87: {  	_ =	shalt  }
.Lfunc_end0:
.L_simem_size_0:
called_computation.2_lowered:
.L_overlay_start_0:
0x88: {  	s2 =	sld [smem:$0x3FD9]  }
0x89: {  	s3 =	sld [smem:$0x3FFE];
	_ =	sdelay $0x1  }
0x8a: {  	s1 =	srdreg.scid  }
0x8b: {  	s0 =	sand.u32 $0x1, s1  }
0x8c: {  	s16 =	sshll.u32 s0, $0xA;
	s2 =	sadd.s32 s3, s2  }
0x8d: {  	s2 =	sadd.s32 s2, s16  }
0x8e: {  	[smem:$0x3FBE] =	sst s2  }
0x8f: {  	_ = 	snop  }
0x90: {  	(tm) =	ssettm $0x1  }
0x91: {  	s17 =	sld [smem:$0x3FFB];
	_ =	sdelay $0x3  }
0x92: {  	_ =	strace s17  }
0x93: {  	s2 =	sld [smem:$0x3FFC];
	_ =	sdelay $0x3  }
0x94: {  	_ =	strace s2  }
0x95: {  	s2 =	sld [smem:$0x3FFD];
	_ =	sdelay $0x3  }
0x96: {  	_ =	strace s2  }
0x97: {  	_ =	strace $0x8FFFFFFF  }
0x98: {  	s18 =	sld [smem:$0x3FDB];
	_ =	sdelay $0x1  }
0x99: {  	s19 =	simm.s32 $_scs_section_size  }
0x9a: {  	s4 =	simm.s32 $_size__tile_overlayer_lowered;
	s5 =	simm.s32 $_tile_overlayer_lowered  }
0x9b: {  	s22 =	simm.s32 $0x1BFF;
	s21 =	sshll.u32 s5, $0x1;
	s2 =	sadd.s32 s19, s18  }
0x9c: {  	s6 =	simm.s32 $0x0;
	s20 =	sshll.u32 s4, $0x1;
	s4 =	sadd.s32 s21, s2  }
0x9d: {  	[timem:s6], [sflag:s22] =	dma.local [hbm:s4], s20  }
0x9e: {  	_ =	swait.ge [sflag:s22], s20  }
0x9f: {  	s3 =	ssub.s32 $0x0, s20;
	[sflag:s22] =	ssyncset.done $0x0  }
0xa0: {  	[sflag:s22] =	ssyncadd.s32 s3;
	_ =	sdelay $0x1  }
0xa1: {  	s23 =	simm.s32 $0x1B8B  }
0xa2: {  	_ =	swait.ge [sflag:s23], $0x1  }
0xa3: {  	[sflag:s23] =	ssyncset.done $0x0  }
0xa4: {  	s25 =	simm.s32 $0x1B8E;
	s24 =	sld [smem:$0x3FFE];
	[sflag:s23] =	ssyncadd.s32 $0xFFFFFFFF  }
0xa5: {  	s26 =	simm.s32 $execute0_lowered;
	[smem:$0x3FD2] =	sst s25  }
0xa6: {  	s4 =	sshll.u32 s26, $0x1;
	_ =	strace $0x80000046;
	[dreg:$0x1] =	wrdreg $0xFFFFFFFF  }
0xa7: {  	s28 =	simm.s32 $_size_execute0_lowered;
	s2 =	sadd.s32 s2, s4;
	[dreg:$0x0] =	wrdreg $0x0  }
0xa8: {  	s4 =	sshll.u32 s28, $0x1;
	[dreg:$0x2] =	wrdreg s2  }
0xa9: {  	[dreg:$0x3] =	wrdreg s4  }
0xaa: {  	[dreg:$0x4] =	wrdreg $0xC0  }
0xab: {  	_ =	task [dreg:s6], $0x5FFFF  }
0xac: {  	[dreg:$0x1] =	wrdreg $0xFFFFFFFF  }
0xad: {  	[dreg:$0x0] =	wrdreg $0x60  }
0xae: {  	[dreg:$0x2] =	wrdreg s24  }
0xaf: {  	[dreg:$0x3] =	wrdreg $0xA  }
0xb0: {  	_ =	task.clear_ibuf [dreg:s6], $0x4FFFF;
	_ =	strace $0x90000046  }
0xb1: {  	s29 =	simm.s32 $0xA;
	_ =	strace $0x80000048  }
0xb2: {  	_ =	swait.ge [sflag:s29], $0x1  }
0xb3: {  	[sflag:s29] =	ssyncadd.s32 $0xFFFFFFFF  }
0xb4: {  	_ =	strace $0x90000048  }
0xb5: {  	_ =	sfence  }
0xb6: {  	s30 =	sld [smem:$0x0];
	_ =	sdelay $0x2  }
0xb7: {  	s31 =	sshll.u32 s1, $0xD;
	s1 =	sshrl.u32 s1, $0x2  }
0xb8: {  	s3 =	sand.u32 $0x4000, s31;
	s1 =	sadd.s32 s1, s30  }
0xb9: {  	s0 =	sor.u32 s3, s0;
	s1 =	sshll.u32 s1, $0x11  }
0xba: {  	s0 =	sor.u32 s1, s0  }
0xbb: {  	s0 =	sadd.s32 $0x8F2B, s0  }
0xbc: {  	[sflag:s0] =	ssyncadd.remote.s32 $0x1  }
0xbd: {  	_ =	sfence.sel $0xFFFF  }
0xbe: {  	[dreg:$0x0] =	wrdreg $0xFFFFFFFF;
	(pc) =	sbr.abs _section_cstart, $3  }
0xbf: {  	[dreg:$0x1] =	wrdreg $0xFFFFFFFF  }
0xc0: {  	_ =	task.clear_ibuf [dreg:s6], $0x2FFFF;
	_ =	strace $0x9FFFFFFF  }
0xc1: {  	(tm) =	ssettm $0x7FFFFFFF  }
tec
execute0_lowered:
.L_overlay_start_1:
0x0: {  	(tag) =	ssettag $0x1  }
0x1: {  	s1 =	srdreg.scid  }
0x2: {  	s0 =	stileid.u32;
	s26 =	sand.u32 $0x1, s1  }
0x3: {  	s31 =	sshll.u32 s0, $0xC;
	s2 =	sshll.u32 s26, $0xB  }
0x4: {  	s11 =	sor.u32 s2, s31  }
0x5: {  	s10 =	rddreg [dreg:$0x0];
	s2 =	simm.s32 $0x0;
	s3 =	sshrl.u32 s11, $0x3  }
0x6: {  	s4 =	simm.s32 $0x5;
	[smem:$0x7FF] =	sst s2;
	s3 =	sadd.s32 s3, s10  }
0x7: {  	s1 =	rddreg [dreg:$0x1];
	_ =	strace $0x80000047;
	s3 =	sadd.s32 $0x201000, s3  }
0x8: {  	[tilespmem:s2], [sflag:$0x5] =	stream.linear.gather [hbm4b:s3+s2], $0x800, $0x38;
	[tilespmem:$0x10800] =	vst v63  }
0x9: {  	_ =	swait.ge [sflag:s4], $0x800  }
0xa: {  	s6 =	simm.s32 $0x100;
	[sflag:s4] =	ssyncset.done $0x0  }
0xb: {  	s7 =	simm.s32 $0x800;
	s5 =	sadd.s32 $0x203000, s10;
	[sflag:s4] =	ssyncadd.s32 $0xFFFFF800  }
0xc: {  	[tilespmem:s7], [sflag:$0x1] =	stream.indirect.gather [hbm4b:s5+s6], $0x80, s2, s6, $0xb8;
	[tilespmem:$0x10800] =	vst v63  }
0xd: {  	s8 =	simm.s32 $0x8800;
	s9 =	simm.s32 $0x1  }
0xe: {  	[tilespmem:s8], [sflag:$0x2] =	stream.indirect.gather [hbm4b:s5+s6], $0x80, s6, s6, $0xb8;
	[tilespmem:$0x10800] =	vst v63  }
0xf: {  	s11 =	sshll.u32 s11, $0x4;
	_ =	swait.ge [sflag:s9], $0x8000  }
0x10: {  	s28 =	sadd.s32 s11, s10;
	[sflag:s9] =	ssyncset.done $0x0  }
0x11: {  	s11 =	simm.s32 $0x3;
	s10 =	sadd.s32 $0x243000, s28;
	[sflag:s9] =	ssyncadd.s32 $0xFFFF8000  }
0x12: {  	[hbm4b:s10+s2] =	stream.linear.scatter [tilespmem:s7], [sflag:$0x3], $0x8000, $0x38;
	[tilespmem:$0x10800] =	vst v63  }
0x13: {  	_ =	swait.ge [sflag:s11], $0x8000  }
0x14: {  	[sflag:s11] =	ssyncset.done $0x0  }
0x15: {  	s12 =	simm.s32 $0x200;
	s13 =	simm.s32 $0x2;
	[sflag:s11] =	ssyncadd.s32 $0xFFFF8000  }
0x16: {  	[tilespmem:s7], [sflag:$0x1] =	stream.indirect.gather [hbm4b:s5+s6], $0x80, s12, s6, $0xb8;
	[tilespmem:$0x10800] =	vst v63  }
0x17: {  	_ =	swait.ge [sflag:s13], $0x8000  }
0x18: {  	[sflag:s13] =	ssyncset.done $0x0  }
0x19: {  	s14 =	simm.s32 $0x4;
	s15 =	sadd.s32 $0x244000, s28;
	[sflag:s13] =	ssyncadd.s32 $0xFFFF8000  }
0x1a: {  	[hbm4b:s15+s2] =	stream.linear.scatter [tilespmem:s8], [sflag:$0x4], $0x8000, $0x38;
	[tilespmem:$0x10800] =	vst v63  }
0x1b: {  	_ =	swait.ge [sflag:s14], $0x8000  }
0x1c: {  	[sflag:s14] =	ssyncset.done $0x0  }
0x1d: {  	s16 =	simm.s32 $0x300;
	[sflag:s14] =	ssyncadd.s32 $0xFFFF8000  }
0x1e: {  	[tilespmem:s8], [sflag:$0x2] =	stream.indirect.gather [hbm4b:s5+s6], $0x80, s16, s6, $0xb8;
	[tilespmem:$0x10800] =	vst v63  }
0x1f: {  	_ =	swait.ge [sflag:s9], $0x8000  }
0x20: {  	[sflag:s9] =	ssyncset.done $0x0  }
0x21: {  	s17 =	sadd.s32 $0x245000, s28;
	[sflag:s9] =	ssyncadd.s32 $0xFFFF8000  }
0x22: {  	[hbm4b:s17+s2] =	stream.linear.scatter [tilespmem:s7], [sflag:$0x3], $0x8000, $0x38;
	[tilespmem:$0x10800] =	vst v63  }
0x23: {  	_ =	swait.ge [sflag:s11], $0x8000  }
0x24: {  	[sflag:s11] =	ssyncset.done $0x0  }
0x25: {  	s18 =	simm.s32 $0x400;
	[sflag:s11] =	ssyncadd.s32 $0xFFFF8000  }
0x26: {  	[tilespmem:s7], [sflag:$0x1] =	stream.indirect.gather [hbm4b:s5+s6], $0x80, s18, s6, $0xb8;
	[tilespmem:$0x10800] =	vst v63  }
0x27: {  	_ =	swait.ge [sflag:s13], $0x8000  }
0x28: {  	[sflag:s13] =	ssyncset.done $0x0  }
0x29: {  	s19 =	sadd.s32 $0x246000, s28;
	[sflag:s13] =	ssyncadd.s32 $0xFFFF8000  }
0x2a: {  	[hbm4b:s19+s2] =	stream.linear.scatter [tilespmem:s8], [sflag:$0x4], $0x8000, $0x38;
	[tilespmem:$0x10800] =	vst v63  }
0x2b: {  	_ =	swait.ge [sflag:s14], $0x8000  }
0x2c: {  	[sflag:s14] =	ssyncset.done $0x0  }
0x2d: {  	s20 =	simm.s32 $0x500;
	[sflag:s14] =	ssyncadd.s32 $0xFFFF8000  }
0x2e: {  	[tilespmem:s8], [sflag:$0x2] =	stream.indirect.gather [hbm4b:s5+s6], $0x80, s20, s6, $0xb8;
	[tilespmem:$0x10800] =	vst v63  }
0x2f: {  	_ =	swait.ge [sflag:s9], $0x8000  }
0x30: {  	[sflag:s9] =	ssyncset.done $0x0  }
0x31: {  	s21 =	sadd.s32 $0x247000, s28;
	[sflag:s9] =	ssyncadd.s32 $0xFFFF8000  }
0x32: {  	[hbm4b:s21+s2] =	stream.linear.scatter [tilespmem:s7], [sflag:$0x3], $0x8000, $0x38;
	[tilespmem:$0x10800] =	vst v63  }
0x33: {  	_ =	swait.ge [sflag:s11], $0x8000  }
0x34: {  	[sflag:s11] =	ssyncset.done $0x0  }
0x35: {  	s22 =	simm.s32 $0x600;
	[sflag:s11] =	ssyncadd.s32 $0xFFFF8000  }
0x36: {  	[tilespmem:s7], [sflag:$0x1] =	stream.indirect.gather [hbm4b:s5+s6], $0x80, s22, s6, $0xb8;
	[tilespmem:$0x10800] =	vst v63  }
0x37: {  	_ =	swait.ge [sflag:s13], $0x8000  }
0x38: {  	[sflag:s13] =	ssyncset.done $0x0  }
0x39: {  	s23 =	sadd.s32 $0x248000, s28;
	[sflag:s13] =	ssyncadd.s32 $0xFFFF8000  }
0x3a: {  	[hbm4b:s23+s2] =	stream.linear.scatter [tilespmem:s8], [sflag:$0x4], $0x8000, $0x38;
	[tilespmem:$0x10800] =	vst v63  }
0x3b: {  	_ =	swait.ge [sflag:s14], $0x8000  }
0x3c: {  	[sflag:s14] =	ssyncset.done $0x0  }
0x3d: {  	s24 =	simm.s32 $0x700;
	[sflag:s14] =	ssyncadd.s32 $0xFFFF8000  }
0x3e: {  	[tilespmem:s8], [sflag:$0x2] =	stream.indirect.gather [hbm4b:s5+s6], $0x80, s24, s6, $0xb8;
	[tilespmem:$0x10800] =	vst v63  }
0x3f: {  	_ =	swait.ge [sflag:s9], $0x8000  }
0x40: {  	s29 =	ssub.s32 $0x2, s26;
	s25 =	sadd.s32 $0x249000, s28;
	[sflag:s9] =	ssyncset.done $0x0  }
0x41: {  	s26 =	sadd.s32 $0x24A000, s28;
	s28 =	sshrl.u32 s29, $0x1;
	[sflag:s9] =	ssyncadd.s32 $0xFFFF8000  }
0x42: {  	[hbm4b:s25+s2] =	stream.linear.scatter [tilespmem:s7], [sflag:$0x3], $0x8000, $0x38;
	[tilespmem:$0x10800] =	vst v63  }
0x43: {  	s28 =	ssub.s32 s29, s28;
	_ =	swait.ge [sflag:s13], $0x8000  }
0x44: {  	s28 =	smax.u32 s28, $0x1;
	[sflag:s13] =	ssyncset.done $0x0  }
0x45: {  	p0 =	sne.s32 s28, $0x1;
	[sflag:s13] =	ssyncadd.s32 $0xFFFF8000  }
0x46: {  	[hbm4b:s26+s2] =	stream.linear.scatter [tilespmem:s8], [sflag:$0x4], $0x8000, $0x38;
	[tilespmem:$0x10800] =	vst v63  }
.Ltmp0:
0x47: {  	_ =	swait.ge [sflag:s11], $0x8000;
	(pc) =	sbr.rel @!p0 .LBB2_2-.Ltmp0, $4  }
0x48: {  	[sflag:s11] =	ssyncset.done $0x0  }
0x49: {  	[sflag:s11] =	ssyncadd.s32 $0xFFFF8000  }
0x4a: {  	_ =	swait.ge [sflag:s14], $0x8000  }
0x4b: {  	s28 =	sadd.s32 $0xFFFFFFFF, s28;
	[sflag:s14] =	ssyncset.done $0x0  }
.LBB2_1:
0x4c: {  	p0 =	sne.s32 s28, $0x1;
	s28 =	sadd.s32 $0xFFFFFFFF, s28;
	[sflag:s14] =	ssyncadd.s32 $0xFFFF8000  }
0x4d: {  	[tilespmem:s2], [sflag:$0x5] =	stream.linear.gather [hbm4b:s3+s2], $0x800, $0x38;
	[tilespmem:$0x10800] =	vst v63  }
0x4e: {  	_ =	swait.ge [sflag:s4], $0x800  }
0x4f: {  	[sflag:s4] =	ssyncset.done $0x0  }
0x50: {  	[sflag:s4] =	ssyncadd.s32 $0xFFFFF800  }
0x51: {  	[tilespmem:s7], [sflag:$0x1] =	stream.indirect.gather [hbm4b:s5+s6], $0x80, s2, s6, $0xb8;
	[tilespmem:$0x10800] =	vst v63  }
0x52: {  	_ = 	snop  }
0x53: {  	[tilespmem:s8], [sflag:$0x2] =	stream.indirect.gather [hbm4b:s5+s6], $0x80, s6, s6, $0xb8;
	[tilespmem:$0x10800] =	vst v63  }
0x54: {  	_ =	swait.ge [sflag:s9], $0x8000  }
0x55: {  	[sflag:s9] =	ssyncset.done $0x0  }
0x56: {  	[sflag:s9] =	ssyncadd.s32 $0xFFFF8000  }
0x57: {  	[hbm4b:s10+s2] =	stream.linear.scatter [tilespmem:s7], [sflag:$0x3], $0x8000, $0x38;
	[tilespmem:$0x10800] =	vst v63  }
0x58: {  	_ =	swait.ge [sflag:s11], $0x8000  }
0x59: {  	[sflag:s11] =	ssyncset.done $0x0  }
0x5a: {  	[sflag:s11] =	ssyncadd.s32 $0xFFFF8000  }
0x5b: {  	[tilespmem:s7], [sflag:$0x1] =	stream.indirect.gather [hbm4b:s5+s6], $0x80, s12, s6, $0xb8;
	[tilespmem:$0x10800] =	vst v63  }
0x5c: {  	_ =	swait.ge [sflag:s13], $0x8000  }
0x5d: {  	[sflag:s13] =	ssyncset.done $0x0  }
0x5e: {  	[sflag:s13] =	ssyncadd.s32 $0xFFFF8000  }
0x5f: {  	[hbm4b:s15+s2] =	stream.linear.scatter [tilespmem:s8], [sflag:$0x4], $0x8000, $0x38;
	[tilespmem:$0x10800] =	vst v63  }
0x60: {  	_ =	swait.ge [sflag:s14], $0x8000  }
0x61: {  	[sflag:s14] =	ssyncset.done $0x0  }
0x62: {  	[sflag:s14] =	ssyncadd.s32 $0xFFFF8000  }
0x63: {  	[tilespmem:s8], [sflag:$0x2] =	stream.indirect.gather [hbm4b:s5+s6], $0x80, s16, s6, $0xb8;
	[tilespmem:$0x10800] =	vst v63  }
0x64: {  	_ =	swait.ge [sflag:s9], $0x8000  }
0x65: {  	[sflag:s9] =	ssyncset.done $0x0  }
0x66: {  	[sflag:s9] =	ssyncadd.s32 $0xFFFF8000  }
0x67: {  	[hbm4b:s17+s2] =	stream.linear.scatter [tilespmem:s7], [sflag:$0x3], $0x8000, $0x38;
	[tilespmem:$0x10800] =	vst v63  }
0x68: {  	_ =	swait.ge [sflag:s11], $0x8000  }
0x69: {  	[sflag:s11] =	ssyncset.done $0x0  }
0x6a: {  	[sflag:s11] =	ssyncadd.s32 $0xFFFF8000  }
0x6b: {  	[tilespmem:s7], [sflag:$0x1] =	stream.indirect.gather [hbm4b:s5+s6], $0x80, s18, s6, $0xb8;
	[tilespmem:$0x10800] =	vst v63  }
0x6c: {  	_ =	swait.ge [sflag:s13], $0x8000  }
0x6d: {  	[sflag:s13] =	ssyncset.done $0x0  }
0x6e: {  	[sflag:s13] =	ssyncadd.s32 $0xFFFF8000  }
0x6f: {  	[hbm4b:s19+s2] =	stream.linear.scatter [tilespmem:s8], [sflag:$0x4], $0x8000, $0x38;
	[tilespmem:$0x10800] =	vst v63  }
0x70: {  	_ =	swait.ge [sflag:s14], $0x8000  }
0x71: {  	[sflag:s14] =	ssyncset.done $0x0  }
0x72: {  	[sflag:s14] =	ssyncadd.s32 $0xFFFF8000  }
0x73: {  	[tilespmem:s8], [sflag:$0x2] =	stream.indirect.gather [hbm4b:s5+s6], $0x80, s20, s6, $0xb8;
	[tilespmem:$0x10800] =	vst v63  }
0x74: {  	_ =	swait.ge [sflag:s9], $0x8000  }
0x75: {  	[sflag:s9] =	ssyncset.done $0x0  }
0x76: {  	[sflag:s9] =	ssyncadd.s32 $0xFFFF8000  }
0x77: {  	[hbm4b:s21+s2] =	stream.linear.scatter [tilespmem:s7], [sflag:$0x3], $0x8000, $0x38;
	[tilespmem:$0x10800] =	vst v63  }
0x78: {  	_ =	swait.ge [sflag:s11], $0x8000  }
0x79: {  	[sflag:s11] =	ssyncset.done $0x0  }
0x7a: {  	[sflag:s11] =	ssyncadd.s32 $0xFFFF8000  }
0x7b: {  	[tilespmem:s7], [sflag:$0x1] =	stream.indirect.gather [hbm4b:s5+s6], $0x80, s22, s6, $0xb8;
	[tilespmem:$0x10800] =	vst v63  }
0x7c: {  	_ =	swait.ge [sflag:s13], $0x8000  }
0x7d: {  	[sflag:s13] =	ssyncset.done $0x0  }
0x7e: {  	[sflag:s13] =	ssyncadd.s32 $0xFFFF8000  }
0x7f: {  	[hbm4b:s23+s2] =	stream.linear.scatter [tilespmem:s8], [sflag:$0x4], $0x8000, $0x38;
	[tilespmem:$0x10800] =	vst v63  }
0x80: {  	_ =	swait.ge [sflag:s14], $0x8000  }
0x81: {  	[sflag:s14] =	ssyncset.done $0x0  }
0x82: {  	[sflag:s14] =	ssyncadd.s32 $0xFFFF8000  }
0x83: {  	[tilespmem:s8], [sflag:$0x2] =	stream.indirect.gather [hbm4b:s5+s6], $0x80, s24, s6, $0xb8;
	[tilespmem:$0x10800] =	vst v63  }
0x84: {  	_ =	swait.ge [sflag:s9], $0x8000  }
0x85: {  	[sflag:s9] =	ssyncset.done $0x0  }
0x86: {  	[sflag:s9] =	ssyncadd.s32 $0xFFFF8000  }
0x87: {  	[hbm4b:s25+s2] =	stream.linear.scatter [tilespmem:s7], [sflag:$0x3], $0x8000, $0x38;
	[tilespmem:$0x10800] =	vst v63  }
0x88: {  	_ =	swait.ge [sflag:s13], $0x8000  }
0x89: {  	[sflag:s13] =	ssyncset.done $0x0  }
0x8a: {  	[sflag:s13] =	ssyncadd.s32 $0xFFFF8000  }
0x8b: {  	[hbm4b:s26+s2] =	stream.linear.scatter [tilespmem:s8], [sflag:$0x4], $0x8000, $0x38;
	[tilespmem:$0x10800] =	vst v63  }
.Ltmp1:
0x8c: {  	_ =	swait.ge [sflag:s11], $0x8000;
	(pc) =	sbr.rel @p0 .LBB2_1-.Ltmp1, $4  }
0x8d: {  	[sflag:s11] =	ssyncset.done $0x0  }
0x8e: {  	[sflag:s11] =	ssyncadd.s32 $0xFFFF8000  }
0x8f: {  	_ =	swait.ge [sflag:s14], $0x8000  }
0x90: {  	[sflag:s14] =	ssyncset.done $0x0  }
.LBB2_2:
0x91: {  	[sflag:s14] =	ssyncadd.s32 $0xFFFF8000  }
0x92: {  	_ =	sfence.sel $0x180000  }
0x93: {  	[bflag:$0x0] =	sbarrier.arrive $0xFFFF  }
0x94: {  	p0 =	sne.s32 s0, $0x0;
	_ =	strace $0x90000047  }
0x95: {  	s0 =	sadd.s32 @!p0 $0x100000, s1;
	[bflag:$0x2] =	sbarrier.arrive $0xFFFF  }
0x96: {  	[sflag:s0] =	ssyncadd.tile.s32 @!p0 $0x1;
	_ =	shalt  }
.Lfunc_end2:
_tile_overlayer_lowered:
.L_overlay_start_2:
0x97: {  	(tag) =	ssettag $0x2  }
0x98: {  	s0 =	rddreg [dreg:$0x0];
	s2 =	stileid.u32  }
0x99: {  	s1 =	rddreg [dreg:$0x1];
	p0 =	sne.s32 s2, $0x0  }
0x9a: {  	s3 =	rddreg [dreg:$0x2];
	[bflag:$0x3] =	sbarrier.arrive $0xFFFF;
	s2 =	simm.s32 @!p0 $0x1C05  }
0x9b: {  	[timem:s3], [sflag:s2] =	dma.local @!p0 [hbm:s0], s1  }
0x9c: {  	s0 =	simm.s32 @!p0 $0x5  }
0x9d: {  	_ =	swait.ge @!p0 [sflag:s0], s1  }
0x9e: {  	s1 =	ssub.s32 @!p0 $0x0, s1;
	[sflag:s0] =	ssyncset.done @!p0 $0x0  }
0x9f: {  	[sflag:s0] =	ssyncadd.s32 @!p0 s1  }
0xa0: {  	[bflag:$0x3] =	sbarrier.arrive $0xFFFF  }
0xa1: {  	_ =	shalt  }

// kernel: kernel.7.cloned.1.call-start
scs
__scs_entry_jumppad:
0x0: {  	(pc) =	sbr.rel $0x88, $3  }
0x1: {  	(tag) =	ssettag $0x0;
	lr =	simm.s32 $0x1  }
0x2: {  	[smem:$0x3F97] =	sst lr;
	_ =	strace $0xD0000000  }
0x3: {  	_ = 	snop  }
0x4: {  	_ = 	snop  }
0x5: {  	_ = 	snop  }
0x6: {  	_ = 	snop  }
0x7: {  	_ = 	snop  }
__scs_overlays_trampoline_lowered:
0x8: {  	[smem:$0x3FA6] =	sst s0  }
0x9: {  	[smem:$0x3FA7] =	sst s1  }
0xa: {  	[smem:$0x3FA8] =	sst s2  }
0xb: {  	[smem:$0x3FA9] =	sst s3  }
0xc: {  	[smem:$0x3FAA] =	sst s4  }
0xd: {  	[smem:$0x3FAB] =	sst s5  }
0xe: {  	[smem:$0x3FAC] =	sst s6  }
0xf: {  	[smem:$0x3FAD] =	sst s7  }
0x10: {  	[smem:$0x3FAE] =	sst s8  }
0x11: {  	[smem:$0x3FAF] =	sst s9;
	s0 =	simm.s32 @!p0 $0x0  }
0x12: {  	s1 =	sld [smem:$0x3F95];
	s0 =	simm.s32 @p0 $0x1  }
0x13: {  	[smem:$0x3FB0] =	sst s0;
	s0 =	simm.s32 @!p1 $0x0  }
0x14: {  	s2 =	sld [smem:$0x3F94];
	s0 =	simm.s32 @p1 $0x1  }
0x15: {  	[smem:$0x3FB1] =	sst s0;
	s0 =	simm.s32 @!p2 $0x0  }
0x16: {  	s3 =	sld [smem:$0x3FDB];
	s0 =	simm.s32 @p2 $0x1  }
0x17: {  	s4 =	simm.s32 $0x1BF5;
	[smem:$0x3FB3] =	sst s0  }
0x18: {  	s0 =	sld [smem:$0x3F96];
	_ =	swait.ge [sflag:s4], $0x0  }
0x19: {  	s7 =	sld [smem:$0x3F97]  }
0x1a: {  	s8 =	sadd.s32 $0xFFFFE003, lr  }
0x1b: {  	s9 =	sadd.s32 $0xFFFFFEF7, lr;
	s5 =	simm.s32 $0xFFFFFFFF;
	p2 =	slt.u32 s8, $0xFFFFF086  }
0x1c: {  	p1 =	slt.u32 s9, $0xF7A;
	s5 =	simm.s32 @!p2 $0x0  }
0x1d: {  	s5 =	simm.s32 @p1 $0x1;
	p0 =	seq.s32 s7, s2  }
0x1e: {  	s7 =	smul.u32 @!p0 $0xF7A, s2;
	p2 =	seq.s32 @!p0 s5, $0x0  }
0x1f: {  	s9 =	smul.u32 $0xF7A, s1;
	s8 =	simm.s32 @!p0 $0x1BF5;
	p2 =	por !p2, p0  }
0x20: {  	[sflag:s8] =	ssyncset.s32 @!p0 $0xFFFFF086;
	s6 =	sadd.s32 @!p0 s3, s7;
	s7 =	simm.s32 @!p0 $0x108  }
0x21: {  	s3 =	sadd.s32 s3, s9;
	s6 =	sadd.s32 @!p0 $0x88, s6;
	s7 =	simm.s32 @p2 $0x1082  }
0x22: {  	[simem:s7], [sflag:s8] =	dma.local @!p0 [hbm:s6], $0xF7A  }
0x23: {  	s9 =	sor.u32 $0xD0000000, s2;
	s6 =	simm.s32 $0x108;
	_ =	swait.ge @!p0 [sflag:s8], $0x0  }
0x24: {  	s3 =	sadd.s32 $0x88, s3;
	s6 =	simm.s32 @!p1 $0x1082;
	[sflag:s4] =	ssyncset.s32 $0xFFFFF086  }
0x25: {  	[simem:s6], [sflag:s4] =	dma.local [hbm:s3], $0xF7A  }
0x26: {  	[smem:$0x3F97] =	sst s1;
	(tag) =	ssettag s2;
	_ =	strace s9  }
0x27: {  	s1 =	sld [smem:$0x3FA7]  }
0x28: {  	s2 =	sld [smem:$0x3FA8]  }
0x29: {  	s4 =	sld [smem:$0x3FAA]  }
0x2a: {  	p0 =	seq.s32 s5, $0x0;
	s5 =	sld [smem:$0x3FAB]  }
0x2b: {  	s6 =	sld [smem:$0x3FAC]  }
0x2c: {  	s7 =	sld [smem:$0x3FAD]  }
0x2d: {  	s3 =	simm.s32 $0x108;
	s8 =	sld [smem:$0x3FAE]  }
0x2e: {  	s3 =	simm.s32 @!p0 $0x1082;
	s9 =	sld [smem:$0x3FAF]  }
0x2f: {  	lr =	sadd.s32 s0, s3;
	s0 =	sld [smem:$0x3FA6]  }
0x30: {  	s3 =	sld [smem:$0x3FA9]  }
0x31: {  	[smem:$0x3FB2] =	sst s10  }
0x32: {  	s10 =	sld [smem:$0x3FB0];
	_ =	sdelay $0x3  }
0x33: {  	p0 =	seq.s32 s10, $0x1;
	s10 =	sld [smem:$0x3FB2];
	_ =	sdelay $0x3  }
0x34: {  	[smem:$0x3FB2] =	sst s10  }
0x35: {  	s10 =	sld [smem:$0x3FB1];
	_ =	sdelay $0x3  }
0x36: {  	p1 =	seq.s32 s10, $0x1;
	s10 =	sld [smem:$0x3FB2];
	_ =	sdelay $0x3  }
0x37: {  	[smem:$0x3FB2] =	sst s10  }
0x38: {  	s10 =	sld [smem:$0x3FB3]  }
0x39: {  	_ = 	snop;
	(pc) =	sbr.ind lr, $3  }
0x3a: {  	_ = 	snop  }
0x3b: {  	_ = 	snop  }
0x3c: {  	p2 =	seq.s32 s10, $0x1;
	s10 =	sld [smem:$0x3FB2]  }
0x3d: {  	_ =	shalt  }
0x3e: {  	_ =	shalt  }
0x3f: {  	_ =	shalt  }
0x40: {  	_ =	shalt  }
0x41: {  	_ =	shalt  }
0x42: {  	_ =	shalt  }
0x43: {  	_ =	shalt  }
0x44: {  	_ =	shalt  }
0x45: {  	_ =	shalt  }
0x46: {  	_ =	shalt  }
0x47: {  	_ =	shalt  }
0x48: {  	_ =	shalt  }
0x49: {  	_ =	shalt  }
0x4a: {  	_ =	shalt  }
0x4b: {  	_ =	shalt  }
0x4c: {  	_ =	shalt  }
0x4d: {  	_ =	shalt  }
0x4e: {  	_ =	shalt  }
0x4f: {  	_ =	shalt  }
0x50: {  	_ =	shalt  }
0x51: {  	_ =	shalt  }
0x52: {  	_ =	shalt  }
0x53: {  	_ =	shalt  }
0x54: {  	_ =	shalt  }
0x55: {  	_ =	shalt  }
0x56: {  	_ =	shalt  }
0x57: {  	_ =	shalt  }
0x58: {  	_ =	shalt  }
0x59: {  	_ =	shalt  }
0x5a: {  	_ =	shalt  }
0x5b: {  	_ =	shalt  }
0x5c: {  	_ =	shalt  }
0x5d: {  	_ =	shalt  }
0x5e: {  	_ =	shalt  }
0x5f: {  	_ =	shalt  }
0x60: {  	_ =	shalt  }
0x61: {  	_ =	shalt  }
0x62: {  	_ =	shalt  }
0x63: {  	_ =	shalt  }
0x64: {  	_ =	shalt  }
0x65: {  	_ =	shalt  }
0x66: {  	_ =	shalt  }
0x67: {  	_ =	shalt  }
0x68: {  	_ =	shalt  }
0x69: {  	_ =	shalt  }
0x6a: {  	_ =	shalt  }
0x6b: {  	_ =	shalt  }
0x6c: {  	_ =	shalt  }
0x6d: {  	_ =	shalt  }
0x6e: {  	_ =	shalt  }
0x6f: {  	_ =	shalt  }
0x70: {  	_ =	shalt  }
0x71: {  	_ =	shalt  }
0x72: {  	_ =	shalt  }
0x73: {  	_ =	shalt  }
0x74: {  	_ =	shalt  }
0x75: {  	_ =	shalt  }
0x76: {  	_ =	shalt  }
0x77: {  	_ =	shalt  }
0x78: {  	_ =	shalt  }
0x79: {  	_ =	shalt  }
0x7a: {  	_ =	shalt  }
0x7b: {  	_ =	shalt  }
0x7c: {  	_ =	shalt  }
0x7d: {  	_ =	shalt  }
0x7e: {  	_ =	shalt  }
0x7f: {  	_ =	shalt  }
0x80: {  	_ =	shalt  }
0x81: {  	_ =	shalt  }
0x82: {  	_ =	shalt  }
0x83: {  	_ =	shalt  }
0x84: {  	_ =	shalt  }
0x85: {  	_ =	shalt  }
0x86: {  	_ =	shalt  }
0x87: {  	_ =	shalt  }
.Lfunc_end0:
.L_simem_size_0:
called_computation.1_lowered:
.L_overlay_start_0:
0x88: {  	s2 =	sld [smem:$0x3FD9]  }
0x89: {  	s3 =	sld [smem:$0x3FFE];
	_ =	sdelay $0x1  }
0x8a: {  	s1 =	srdreg.scid  }
0x8b: {  	s0 =	sand.u32 $0x1, s1  }
0x8c: {  	s17 =	sshll.u32 s0, $0xA;
	s2 =	sadd.s32 s3, s2  }
0x8d: {  	s2 =	sadd.s32 s2, s17  }
0x8e: {  	[smem:$0x3FBE] =	sst s2  }
0x8f: {  	_ = 	snop  }
0x90: {  	s18 =	sld [smem:$0x3FD0];
	(tm) =	ssettm $0x1  }
0x91: {  	s19 =	sld [smem:$0x3FFB];
	_ =	sdelay $0x3  }
0x92: {  	_ =	strace s19  }
0x93: {  	s2 =	sld [smem:$0x3FFC];
	_ =	sdelay $0x3  }
0x94: {  	_ =	strace s2  }
0x95: {  	s2 =	sld [smem:$0x3FFD];
	_ =	sdelay $0x3  }
0x96: {  	_ =	strace s2  }
0x97: {  	_ =	strace $0x8FFFFFFF  }
0x98: {  	s20 =	sld [smem:$0x3FDB];
	_ =	sdelay $0x1  }
0x99: {  	s4 =	simm.s32 $_scs_section_size  }
0x9a: {  	s5 =	simm.s32 $_size__tile_overlayer_lowered;
	s6 =	simm.s32 $_tile_overlayer_lowered  }
0x9b: {  	s7 =	simm.s32 $0x1BFF;
	s21 =	sshll.u32 s6, $0x1;
	s4 =	sadd.s32 s4, s20  }
0x9c: {  	s22 =	simm.s32 $0x0;
	s5 =	sshll.u32 s5, $0x1;
	s6 =	sadd.s32 s21, s4  }
0x9d: {  	[timem:s22], [sflag:s7] =	dma.local [hbm:s6], s5  }
0x9e: {  	_ =	swait.ge [sflag:s7], s5  }
0x9f: {  	s5 =	ssub.s32 $0x0, s5;
	[sflag:s7] =	ssyncset.done $0x0  }
0xa0: {  	[sflag:s7] =	ssyncadd.s32 s5;
	_ =	sdelay $0x1  }
0xa1: {  	s23 =	simm.s32 $0x1B8B  }
0xa2: {  	_ =	swait.ge [sflag:s23], $0x1  }
0xa3: {  	[sflag:s23] =	ssyncset.done $0x0  }
0xa4: {  	[sflag:s23] =	ssyncadd.s32 $0xFFFFFFFF  }
0xa5: {  	s5 =	sld [smem:$0x0]  }
0xa6: {  	s6 =	sand.u32 $0xFFFFFFFE, s1  }
0xa7: {  	p0 =	sne.s32 s1, s6  }
0xa8: {  	s6 =	sshll.u32 @p0 s6, $0xE  }
0xa9: {  	s6 =	sadd.s32 @p0 $0x11B8D, s6;
	s7 =	sshll.u32 @p0 s5, $0x11  }
0xaa: {  	s6 =	sor.u32 @p0 s7, s6  }
0xab: {  	[sflag:s6] =	ssyncadd.remote.s32 @p0 $0x1;
	_ =	sdelay $0x1  }
0xac: {  	s6 =	simm.s32 @p0 $0x1B8D  }
0xad: {  	_ =	swait.eq @p0 [sflag:s6], $0x1  }
0xae: {  	[sflag:s6] =	ssyncadd.s32 @p0 $0xFFFFFFFF  }
0xaf: {  	s7 =	sshll.u32 @!p0 s1, $0xE  }
0xb0: {  	s7 =	sor.u32 @!p0 $0x4000, s7;
	s6 =	simm.s32 @!p0 $0x1B8D  }
0xb1: {  	s5 =	sshll.u32 @!p0 s5, $0x11;
	s7 =	sadd.s32 @!p0 $0x11B8D, s7;
	_ =	swait.eq @!p0 [sflag:s6], $0x1  }
0xb2: {  	s5 =	sor.u32 @!p0 s5, s7;
	[sflag:s6] =	ssyncadd.s32 @!p0 $0xFFFFFFFF  }
0xb3: {  	s25 =	simm.s32 $0x1B8E;
	s24 =	sld [smem:$0x3FFE];
	[sflag:s5] =	ssyncadd.remote.s32 @!p0 $0x1  }
0xb4: {  	s26 =	simm.s32 $execute0_lowered;
	[smem:$0x3FD2] =	sst s25  }
0xb5: {  	s6 =	sshll.u32 s26, $0x1;
	_ =	strace $0x80000049;
	[dreg:$0x1] =	wrdreg $0xFFFFFFFF  }
0xb6: {  	s28 =	simm.s32 $_size_execute0_lowered;
	s4 =	sadd.s32 s4, s6;
	[dreg:$0x0] =	wrdreg $0x0  }
0xb7: {  	s6 =	sshll.u32 s28, $0x1;
	[dreg:$0x2] =	wrdreg s4  }
0xb8: {  	[dreg:$0x3] =	wrdreg s6  }
0xb9: {  	[dreg:$0x4] =	wrdreg $0xC0  }
0xba: {  	_ =	task [dreg:s22], $0x5FFFF  }
0xbb: {  	[dreg:$0x1] =	wrdreg $0xFFFFFFFF  }
0xbc: {  	[dreg:$0x0] =	wrdreg $0x60  }
0xbd: {  	[dreg:$0x2] =	wrdreg s24  }
0xbe: {  	[dreg:$0x3] =	wrdreg s18  }
0xbf: {  	[dreg:$0x4] =	wrdreg $0x9  }
0xc0: {  	_ =	task.clear_ibuf [dreg:s22], $0x5FFFF;
	_ =	strace $0x90000049  }
0xc1: {  	s29 =	simm.s32 $0x9;
	_ =	strace $0x8000004B  }
0xc2: {  	_ =	swait.ge [sflag:s29], $0x1  }
0xc3: {  	[sflag:s29] =	ssyncadd.s32 $0xFFFFFFFF  }
0xc4: {  	_ =	strace $0x9000004B  }
0xc5: {  	_ =	sfence  }
0xc6: {  	s30 =	sld [smem:$0x0];
	_ =	sdelay $0x2  }
0xc7: {  	s31 =	sshll.u32 s1, $0xD;
	s1 =	sshrl.u32 s1, $0x2  }
0xc8: {  	s4 =	sand.u32 $0x4000, s31;
	s1 =	sadd.s32 s1, s30  }
0xc9: {  	s0 =	sor.u32 s4, s0;
	s1 =	sshll.u32 s1, $0x11  }
0xca: {  	s0 =	sor.u32 s1, s0  }
0xcb: {  	s0 =	sadd.s32 $0x8F2B, s0  }
0xcc: {  	[sflag:s0] =	ssyncadd.remote.s32 $0x1  }
0xcd: {  	_ =	sfence.sel $0xFFFF  }
0xce: {  	[dreg:$0x0] =	wrdreg $0xFFFFFFFF;
	(pc) =	sbr.abs _section_cstart, $3  }
0xcf: {  	[dreg:$0x1] =	wrdreg $0xFFFFFFFF  }
0xd0: {  	_ =	task.clear_ibuf [dreg:s22], $0x2FFFF;
	_ =	strace $0x9FFFFFFF  }
0xd1: {  	(tm) =	ssettm $0x7FFFFFFF  }
tec
execute0_lowered:
.L_overlay_start_1:
0x0: {  	(tag) =	ssettag $0x1  }
0x1: {  	s1 =	srdreg.scid  }
0x2: {  	s0 =	stileid.u32;
	s26 =	sand.u32 $0x1, s1  }
0x3: {  	s31 =	sshll.u32 s0, $0xC;
	s2 =	sshll.u32 s26, $0xB  }
0x4: {  	s5 =	rddreg [dreg:$0x0];
	s11 =	sor.u32 s2, s31  }
0x5: {  	s10 =	rddreg [dreg:$0x1];
	s2 =	simm.s32 $0x0;
	s3 =	sshrl.u32 s11, $0x3  }
0x6: {  	s4 =	simm.s32 $0x5;
	[smem:$0x7FF] =	sst s2;
	s3 =	sadd.s32 s3, s5  }
0x7: {  	s1 =	rddreg [dreg:$0x2];
	_ =	strace $0x8000004A;
	s3 =	sadd.s32 $0x1000, s3  }
0x8: {  	[tilespmem:s2], [sflag:$0x5] =	stream.linear.gather [hbm4b:s3+s2], $0x800, $0x38;
	[tilespmem:$0x10800] =	vst v63  }
0x9: {  	_ =	swait.ge [sflag:s4], $0x800  }
0xa: {  	s6 =	simm.s32 $0x100;
	[sflag:s4] =	ssyncset.done $0x0  }
0xb: {  	s7 =	simm.s32 $0x800;
	s5 =	sadd.s32 $0x203000, s5;
	[sflag:s4] =	ssyncadd.s32 $0xFFFFF800  }
0xc: {  	[tilespmem:s7], [sflag:$0x1] =	stream.indirect.gather [hbm4b:s5+s6], $0x80, s2, s6, $0xb8;
	[tilespmem:$0x10800] =	vst v63  }
0xd: {  	s8 =	simm.s32 $0x8800;
	s9 =	simm.s32 $0x1  }
0xe: {  	[tilespmem:s8], [sflag:$0x2] =	stream.indirect.gather [hbm4b:s5+s6], $0x80, s6, s6, $0xb8;
	[tilespmem:$0x10800] =	vst v63  }
0xf: {  	_ =	swait.ge [sflag:s9], $0x8000  }
0x10: {  	s11 =	sshll.u32 s11, $0x4;
	[sflag:s9] =	ssyncset.done $0x0  }
0x11: {  	s10 =	sadd.s32 s10, s11;
	s11 =	simm.s32 $0x3;
	[sflag:s9] =	ssyncadd.s32 $0xFFFF8000  }
0x12: {  	[hbm4b:s10+s2] =	stream.linear.scatter [tilespmem:s7], [sflag:$0x3], $0x8000, $0x38;
	[tilespmem:$0x10800] =	vst v63  }
0x13: {  	_ =	swait.ge [sflag:s11], $0x8000  }
0x14: {  	[sflag:s11] =	ssyncset.done $0x0  }
0x15: {  	s12 =	simm.s32 $0x200;
	s13 =	simm.s32 $0x2;
	[sflag:s11] =	ssyncadd.s32 $0xFFFF8000  }
0x16: {  	[tilespmem:s7], [sflag:$0x1] =	stream.indirect.gather [hbm4b:s5+s6], $0x80, s12, s6, $0xb8;
	[tilespmem:$0x10800] =	vst v63  }
0x17: {  	_ =	swait.ge [sflag:s13], $0x8000  }
0x18: {  	[sflag:s13] =	ssyncset.done $0x0  }
0x19: {  	s14 =	simm.s32 $0x4;
	s15 =	sadd.s32 $0x1000, s10;
	[sflag:s13] =	ssyncadd.s32 $0xFFFF8000  }
0x1a: {  	[hbm4b:s15+s2] =	stream.linear.scatter [tilespmem:s8], [sflag:$0x4], $0x8000, $0x38;
	[tilespmem:$0x10800] =	vst v63  }
0x1b: {  	_ =	swait.ge [sflag:s14], $0x8000  }
0x1c: {  	[sflag:s14] =	ssyncset.done $0x0  }
0x1d: {  	s16 =	simm.s32 $0x300;
	[sflag:s14] =	ssyncadd.s32 $0xFFFF8000  }
0x1e: {  	[tilespmem:s8], [sflag:$0x2] =	stream.indirect.gather [hbm4b:s5+s6], $0x80, s16, s6, $0xb8;
	[tilespmem:$0x10800] =	vst v63  }
0x1f: {  	_ =	swait.ge [sflag:s9], $0x8000  }
0x20: {  	[sflag:s9] =	ssyncset.done $0x0  }
0x21: {  	s17 =	sadd.s32 $0x2000, s10;
	[sflag:s9] =	ssyncadd.s32 $0xFFFF8000  }
0x22: {  	[hbm4b:s17+s2] =	stream.linear.scatter [tilespmem:s7], [sflag:$0x3], $0x8000, $0x38;
	[tilespmem:$0x10800] =	vst v63  }
0x23: {  	_ =	swait.ge [sflag:s11], $0x8000  }
0x24: {  	[sflag:s11] =	ssyncset.done $0x0  }
0x25: {  	s18 =	simm.s32 $0x400;
	[sflag:s11] =	ssyncadd.s32 $0xFFFF8000  }
0x26: {  	[tilespmem:s7], [sflag:$0x1] =	stream.indirect.gather [hbm4b:s5+s6], $0x80, s18, s6, $0xb8;
	[tilespmem:$0x10800] =	vst v63  }
0x27: {  	_ =	swait.ge [sflag:s13], $0x8000  }
0x28: {  	[sflag:s13] =	ssyncset.done $0x0  }
0x29: {  	s19 =	sadd.s32 $0x3000, s10;
	[sflag:s13] =	ssyncadd.s32 $0xFFFF8000  }
0x2a: {  	[hbm4b:s19+s2] =	stream.linear.scatter [tilespmem:s8], [sflag:$0x4], $0x8000, $0x38;
	[tilespmem:$0x10800] =	vst v63  }
0x2b: {  	_ =	swait.ge [sflag:s14], $0x8000  }
0x2c: {  	[sflag:s14] =	ssyncset.done $0x0  }
0x2d: {  	s20 =	simm.s32 $0x500;
	[sflag:s14] =	ssyncadd.s32 $0xFFFF8000  }
0x2e: {  	[tilespmem:s8], [sflag:$0x2] =	stream.indirect.gather [hbm4b:s5+s6], $0x80, s20, s6, $0xb8;
	[tilespmem:$0x10800] =	vst v63  }
0x2f: {  	_ =	swait.ge [sflag:s9], $0x8000  }
0x30: {  	[sflag:s9] =	ssyncset.done $0x0  }
0x31: {  	s21 =	sadd.s32 $0x4000, s10;
	[sflag:s9] =	ssyncadd.s32 $0xFFFF8000  }
0x32: {  	[hbm4b:s21+s2] =	stream.linear.scatter [tilespmem:s7], [sflag:$0x3], $0x8000, $0x38;
	[tilespmem:$0x10800] =	vst v63  }
0x33: {  	_ =	swait.ge [sflag:s11], $0x8000  }
0x34: {  	[sflag:s11] =	ssyncset.done $0x0  }
0x35: {  	s22 =	simm.s32 $0x600;
	[sflag:s11] =	ssyncadd.s32 $0xFFFF8000  }
0x36: {  	[tilespmem:s7], [sflag:$0x1] =	stream.indirect.gather [hbm4b:s5+s6], $0x80, s22, s6, $0xb8;
	[tilespmem:$0x10800] =	vst v63  }
0x37: {  	_ =	swait.ge [sflag:s13], $0x8000  }
0x38: {  	[sflag:s13] =	ssyncset.done $0x0  }
0x39: {  	s23 =	sadd.s32 $0x5000, s10;
	[sflag:s13] =	ssyncadd.s32 $0xFFFF8000  }
0x3a: {  	[hbm4b:s23+s2] =	stream.linear.scatter [tilespmem:s8], [sflag:$0x4], $0x8000, $0x38;
	[tilespmem:$0x10800] =	vst v63  }
0x3b: {  	_ =	swait.ge [sflag:s14], $0x8000  }
0x3c: {  	[sflag:s14] =	ssyncset.done $0x0  }
0x3d: {  	s24 =	simm.s32 $0x700;
	[sflag:s14] =	ssyncadd.s32 $0xFFFF8000  }
0x3e: {  	[tilespmem:s8], [sflag:$0x2] =	stream.indirect.gather [hbm4b:s5+s6], $0x80, s24, s6, $0xb8;
	[tilespmem:$0x10800] =	vst v63  }
0x3f: {  	_ =	swait.ge [sflag:s9], $0x8000  }
0x40: {  	s28 =	ssub.s32 $0x2, s26;
	[sflag:s9] =	ssyncset.done $0x0  }
0x41: {  	s29 =	sshrl.u32 s28, $0x1;
	s25 =	sadd.s32 $0x6000, s10;
	[sflag:s9] =	ssyncadd.s32 $0xFFFF8000  }
0x42: {  	[hbm4b:s25+s2] =	stream.linear.scatter [tilespmem:s7], [sflag:$0x3], $0x8000, $0x38;
	[tilespmem:$0x10800] =	vst v63  }
0x43: {  	s28 =	ssub.s32 s28, s29;
	_ =	swait.ge [sflag:s13], $0x8000  }
0x44: {  	s28 =	smax.u32 s28, $0x1;
	[sflag:s13] =	ssyncset.done $0x0  }
0x45: {  	s26 =	sadd.s32 $0x7000, s10;
	p0 =	sne.s32 s28, $0x1;
	[sflag:s13] =	ssyncadd.s32 $0xFFFF8000  }
0x46: {  	[hbm4b:s26+s2] =	stream.linear.scatter [tilespmem:s8], [sflag:$0x4], $0x8000, $0x38;
	[tilespmem:$0x10800] =	vst v63  }
.Ltmp0:
0x47: {  	_ =	swait.ge [sflag:s11], $0x8000;
	(pc) =	sbr.rel @!p0 .LBB2_2-.Ltmp0, $4  }
0x48: {  	[sflag:s11] =	ssyncset.done $0x0  }
0x49: {  	[sflag:s11] =	ssyncadd.s32 $0xFFFF8000  }
0x4a: {  	_ =	swait.ge [sflag:s14], $0x8000  }
0x4b: {  	s28 =	sadd.s32 $0xFFFFFFFF, s28;
	[sflag:s14] =	ssyncset.done $0x0  }
.LBB2_1:
0x4c: {  	p0 =	sne.s32 s28, $0x1;
	s28 =	sadd.s32 $0xFFFFFFFF, s28;
	[sflag:s14] =	ssyncadd.s32 $0xFFFF8000  }
0x4d: {  	[tilespmem:s2], [sflag:$0x5] =	stream.linear.gather [hbm4b:s3+s2], $0x800, $0x38;
	[tilespmem:$0x10800] =	vst v63  }
0x4e: {  	_ =	swait.ge [sflag:s4], $0x800  }
0x4f: {  	[sflag:s4] =	ssyncset.done $0x0  }
0x50: {  	[sflag:s4] =	ssyncadd.s32 $0xFFFFF800  }
0x51: {  	[tilespmem:s7], [sflag:$0x1] =	stream.indirect.gather [hbm4b:s5+s6], $0x80, s2, s6, $0xb8;
	[tilespmem:$0x10800] =	vst v63  }
0x52: {  	_ = 	snop  }
0x53: {  	[tilespmem:s8], [sflag:$0x2] =	stream.indirect.gather [hbm4b:s5+s6], $0x80, s6, s6, $0xb8;
	[tilespmem:$0x10800] =	vst v63  }
0x54: {  	_ =	swait.ge [sflag:s9], $0x8000  }
0x55: {  	[sflag:s9] =	ssyncset.done $0x0  }
0x56: {  	[sflag:s9] =	ssyncadd.s32 $0xFFFF8000  }
0x57: {  	[hbm4b:s10+s2] =	stream.linear.scatter [tilespmem:s7], [sflag:$0x3], $0x8000, $0x38;
	[tilespmem:$0x10800] =	vst v63  }
0x58: {  	_ =	swait.ge [sflag:s11], $0x8000  }
0x59: {  	[sflag:s11] =	ssyncset.done $0x0  }
0x5a: {  	[sflag:s11] =	ssyncadd.s32 $0xFFFF8000  }
0x5b: {  	[tilespmem:s7], [sflag:$0x1] =	stream.indirect.gather [hbm4b:s5+s6], $0x80, s12, s6, $0xb8;
	[tilespmem:$0x10800] =	vst v63  }
0x5c: {  	_ =	swait.ge [sflag:s13], $0x8000  }
0x5d: {  	[sflag:s13] =	ssyncset.done $0x0  }
0x5e: {  	[sflag:s13] =	ssyncadd.s32 $0xFFFF8000  }
0x5f: {  	[hbm4b:s15+s2] =	stream.linear.scatter [tilespmem:s8], [sflag:$0x4], $0x8000, $0x38;
	[tilespmem:$0x10800] =	vst v63  }
0x60: {  	_ =	swait.ge [sflag:s14], $0x8000  }
0x61: {  	[sflag:s14] =	ssyncset.done $0x0  }
0x62: {  	[sflag:s14] =	ssyncadd.s32 $0xFFFF8000  }
0x63: {  	[tilespmem:s8], [sflag:$0x2] =	stream.indirect.gather [hbm4b:s5+s6], $0x80, s16, s6, $0xb8;
	[tilespmem:$0x10800] =	vst v63  }
0x64: {  	_ =	swait.ge [sflag:s9], $0x8000  }
0x65: {  	[sflag:s9] =	ssyncset.done $0x0  }
0x66: {  	[sflag:s9] =	ssyncadd.s32 $0xFFFF8000  }
0x67: {  	[hbm4b:s17+s2] =	stream.linear.scatter [tilespmem:s7], [sflag:$0x3], $0x8000, $0x38;
	[tilespmem:$0x10800] =	vst v63  }
0x68: {  	_ =	swait.ge [sflag:s11], $0x8000  }
0x69: {  	[sflag:s11] =	ssyncset.done $0x0  }
0x6a: {  	[sflag:s11] =	ssyncadd.s32 $0xFFFF8000  }
0x6b: {  	[tilespmem:s7], [sflag:$0x1] =	stream.indirect.gather [hbm4b:s5+s6], $0x80, s18, s6, $0xb8;
	[tilespmem:$0x10800] =	vst v63  }
0x6c: {  	_ =	swait.ge [sflag:s13], $0x8000  }
0x6d: {  	[sflag:s13] =	ssyncset.done $0x0  }
0x6e: {  	[sflag:s13] =	ssyncadd.s32 $0xFFFF8000  }
0x6f: {  	[hbm4b:s19+s2] =	stream.linear.scatter [tilespmem:s8], [sflag:$0x4], $0x8000, $0x38;
	[tilespmem:$0x10800] =	vst v63  }
0x70: {  	_ =	swait.ge [sflag:s14], $0x8000  }
0x71: {  	[sflag:s14] =	ssyncset.done $0x0  }
0x72: {  	[sflag:s14] =	ssyncadd.s32 $0xFFFF8000  }
0x73: {  	[tilespmem:s8], [sflag:$0x2] =	stream.indirect.gather [hbm4b:s5+s6], $0x80, s20, s6, $0xb8;
	[tilespmem:$0x10800] =	vst v63  }
0x74: {  	_ =	swait.ge [sflag:s9], $0x8000  }
0x75: {  	[sflag:s9] =	ssyncset.done $0x0  }
0x76: {  	[sflag:s9] =	ssyncadd.s32 $0xFFFF8000  }
0x77: {  	[hbm4b:s21+s2] =	stream.linear.scatter [tilespmem:s7], [sflag:$0x3], $0x8000, $0x38;
	[tilespmem:$0x10800] =	vst v63  }
0x78: {  	_ =	swait.ge [sflag:s11], $0x8000  }
0x79: {  	[sflag:s11] =	ssyncset.done $0x0  }
0x7a: {  	[sflag:s11] =	ssyncadd.s32 $0xFFFF8000  }
0x7b: {  	[tilespmem:s7], [sflag:$0x1] =	stream.indirect.gather [hbm4b:s5+s6], $0x80, s22, s6, $0xb8;
	[tilespmem:$0x10800] =	vst v63  }
0x7c: {  	_ =	swait.ge [sflag:s13], $0x8000  }
0x7d: {  	[sflag:s13] =	ssyncset.done $0x0  }
0x7e: {  	[sflag:s13] =	ssyncadd.s32 $0xFFFF8000  }
0x7f: {  	[hbm4b:s23+s2] =	stream.linear.scatter [tilespmem:s8], [sflag:$0x4], $0x8000, $0x38;
	[tilespmem:$0x10800] =	vst v63  }
0x80: {  	_ =	swait.ge [sflag:s14], $0x8000  }
0x81: {  	[sflag:s14] =	ssyncset.done $0x0  }
0x82: {  	[sflag:s14] =	ssyncadd.s32 $0xFFFF8000  }
0x83: {  	[tilespmem:s8], [sflag:$0x2] =	stream.indirect.gather [hbm4b:s5+s6], $0x80, s24, s6, $0xb8;
	[tilespmem:$0x10800] =	vst v63  }
0x84: {  	_ =	swait.ge [sflag:s9], $0x8000  }
0x85: {  	[sflag:s9] =	ssyncset.done $0x0  }
0x86: {  	[sflag:s9] =	ssyncadd.s32 $0xFFFF8000  }
0x87: {  	[hbm4b:s25+s2] =	stream.linear.scatter [tilespmem:s7], [sflag:$0x3], $0x8000, $0x38;
	[tilespmem:$0x10800] =	vst v63  }
0x88: {  	_ =	swait.ge [sflag:s13], $0x8000  }
0x89: {  	[sflag:s13] =	ssyncset.done $0x0  }
0x8a: {  	[sflag:s13] =	ssyncadd.s32 $0xFFFF8000  }
0x8b: {  	[hbm4b:s26+s2] =	stream.linear.scatter [tilespmem:s8], [sflag:$0x4], $0x8000, $0x38;
	[tilespmem:$0x10800] =	vst v63  }
.Ltmp1:
0x8c: {  	_ =	swait.ge [sflag:s11], $0x8000;
	(pc) =	sbr.rel @p0 .LBB2_1-.Ltmp1, $4  }
0x8d: {  	[sflag:s11] =	ssyncset.done $0x0  }
0x8e: {  	[sflag:s11] =	ssyncadd.s32 $0xFFFF8000  }
0x8f: {  	_ =	swait.ge [sflag:s14], $0x8000  }
0x90: {  	[sflag:s14] =	ssyncset.done $0x0  }
.LBB2_2:
0x91: {  	[sflag:s14] =	ssyncadd.s32 $0xFFFF8000  }
0x92: {  	_ =	sfence.sel $0x180000  }
0x93: {  	[bflag:$0x0] =	sbarrier.arrive $0xFFFF  }
0x94: {  	p0 =	sne.s32 s0, $0x0;
	_ =	strace $0x9000004A  }
0x95: {  	s0 =	sadd.s32 @!p0 $0x100000, s1;
	[bflag:$0x2] =	sbarrier.arrive $0xFFFF  }
0x96: {  	[sflag:s0] =	ssyncadd.tile.s32 @!p0 $0x1;
	_ =	shalt  }
.Lfunc_end2:
_tile_overlayer_lowered:
.L_overlay_start_2:
0x97: {  	(tag) =	ssettag $0x2  }
0x98: {  	s0 =	rddreg [dreg:$0x0];
	s2 =	stileid.u32  }
0x99: {  	s1 =	rddreg [dreg:$0x1];
	p0 =	sne.s32 s2, $0x0  }
0x9a: {  	s3 =	rddreg [dreg:$0x2];
	[bflag:$0x3] =	sbarrier.arrive $0xFFFF;
	s2 =	simm.s32 @!p0 $0x1C05  }
0x9b: {  	[timem:s3], [sflag:s2] =	dma.local @!p0 [hbm:s0], s1  }
0x9c: {  	s0 =	simm.s32 @!p0 $0x5  }
0x9d: {  	_ =	swait.ge @!p0 [sflag:s0], s1  }
0x9e: {  	s1 =	ssub.s32 @!p0 $0x0, s1;
	[sflag:s0] =	ssyncset.done @!p0 $0x0  }
0x9f: {  	[sflag:s0] =	ssyncadd.s32 @!p0 s1  }
0xa0: {  	[bflag:$0x3] =	sbarrier.arrive $0xFFFF  }
0xa1: {  	_ =	shalt  }

// kernel: sparse-core-data-format-call.cloned.1.call-start
scs
called_computation_lowered:
.L_overlay_start_0:
0x0: {  	s2 =	sld [smem:$0x3FD9]  }
0x1: {  	s3 =	sld [smem:$0x3FFE];
	_ =	sdelay $0x1  }
0x2: {  	s1 =	srdreg.scid  }
0x3: {  	s0 =	sand.u32 $0x1, s1  }
0x4: {  	s18 =	sshll.u32 s0, $0xA;
	s2 =	sadd.s32 s3, s2  }
0x5: {  	s2 =	sadd.s32 s2, s18  }
0x6: {  	[smem:$0x3FBE] =	sst s2  }
0x7: {  	_ = 	snop  }
0x8: {  	s2 =	sld [smem:$0x3FD0];
	(tm) =	ssettm $0x1  }
0x9: {  	s19 =	sld [smem:$0x3FFB];
	_ =	sdelay $0x3  }
0xa: {  	_ =	strace s19  }
0xb: {  	s3 =	sld [smem:$0x3FFC];
	_ =	sdelay $0x3  }
0xc: {  	_ =	strace s3  }
0xd: {  	s3 =	sld [smem:$0x3FFD];
	_ =	sdelay $0x3  }
0xe: {  	_ =	strace s3  }
0xf: {  	_ =	strace $0x8FFFFFFF  }
0x10: {  	s20 =	sld [smem:$0x3FDB];
	_ =	sdelay $0x1  }
0x11: {  	s4 =	simm.s32 $_scs_section_size  }
0x12: {  	s5 =	simm.s32 $_size__tile_overlayer_lowered;
	s6 =	simm.s32 $_tile_overlayer_lowered  }
0x13: {  	s23 =	simm.s32 $0x1BFF;
	s22 =	sshll.u32 s6, $0x1;
	s3 =	sadd.s32 s4, s20  }
0x14: {  	s7 =	simm.s32 $0x0;
	s21 =	sshll.u32 s5, $0x1;
	s5 =	sadd.s32 s22, s3  }
0x15: {  	[timem:s7], [sflag:s23] =	dma.local [hbm:s5], s21  }
0x16: {  	_ =	swait.ge [sflag:s23], s21  }
0x17: {  	s4 =	ssub.s32 $0x0, s21;
	[sflag:s23] =	ssyncset.done $0x0  }
0x18: {  	[sflag:s23] =	ssyncadd.s32 s4;
	_ =	sdelay $0x1  }
0x19: {  	s24 =	simm.s32 $0x1B8B  }
0x1a: {  	_ =	swait.ge [sflag:s24], $0x1  }
0x1b: {  	[sflag:s24] =	ssyncset.done $0x0  }
0x1c: {  	s26 =	simm.s32 $0x1B8E;
	s25 =	sld [smem:$0x3FFE];
	[sflag:s24] =	ssyncadd.s32 $0xFFFFFFFF  }
0x1d: {  	s27 =	simm.s32 $execute0_lowered;
	[smem:$0x3FD2] =	sst s26  }
0x1e: {  	s5 =	sshll.u32 s27, $0x1;
	_ =	strace $0x8000004C;
	[dreg:$0x1] =	wrdreg $0xFFFFFFFF  }
0x1f: {  	s28 =	simm.s32 $_size_execute0_lowered;
	s3 =	sadd.s32 s3, s5;
	[dreg:$0x0] =	wrdreg $0x0  }
0x20: {  	s5 =	sshll.u32 s28, $0x1;
	[dreg:$0x2] =	wrdreg s3  }
0x21: {  	[dreg:$0x3] =	wrdreg s5  }
0x22: {  	[dreg:$0x4] =	wrdreg $0xC0  }
0x23: {  	_ =	task [dreg:s7], $0x5FFFF  }
0x24: {  	[dreg:$0x1] =	wrdreg $0xFFFFFFFF  }
0x25: {  	[dreg:$0x0] =	wrdreg $0x60  }
0x26: {  	[dreg:$0x2] =	wrdreg s25  }
0x27: {  	[dreg:$0x3] =	wrdreg s2  }
0x28: {  	[dreg:$0x4] =	wrdreg $0x9  }
0x29: {  	_ =	task.clear_ibuf [dreg:s7], $0x5FFFF;
	_ =	strace $0x9000004C  }
0x2a: {  	s29 =	simm.s32 $0x9;
	_ =	strace $0x8000004E  }
0x2b: {  	_ =	swait.ge [sflag:s29], $0x1  }
0x2c: {  	[sflag:s29] =	ssyncadd.s32 $0xFFFFFFFF  }
0x2d: {  	_ =	strace $0x9000004E  }
0x2e: {  	_ =	sfence  }
0x2f: {  	s30 =	sld [smem:$0x0];
	_ =	sdelay $0x2  }
0x30: {  	s31 =	sshll.u32 s1, $0xD;
	s1 =	sshrl.u32 s1, $0x2  }
0x31: {  	s3 =	sand.u32 $0x4000, s31;
	s1 =	sadd.s32 s1, s30  }
0x32: {  	s0 =	sor.u32 s3, s0;
	s1 =	sshll.u32 s1, $0x11  }
0x33: {  	s0 =	sor.u32 s1, s0  }
0x34: {  	s0 =	sadd.s32 $0x8F2B, s0  }
0x35: {  	[sflag:s0] =	ssyncadd.remote.s32 $0x1  }
0x36: {  	_ =	sfence.sel $0xFFFF  }
0x37: {  	[dreg:$0x0] =	wrdreg $0xFFFFFFFF;
	(pc) =	sbr.abs _section_cstart, $3  }
0x38: {  	[dreg:$0x1] =	wrdreg $0xFFFFFFFF  }
0x39: {  	_ =	task.clear_ibuf [dreg:s7], $0x2FFFF;
	_ =	strace $0x9FFFFFFF  }
0x3a: {  	(tm) =	ssettm $0x7FFFFFFF  }
0x3b: {  	_ =	shalt  }
tec
execute0_lowered:
.L_overlay_start_1:
0x0: {  	(tag) =	ssettag $0x1  }
0x1: {  	s1 =	rddreg [dreg:$0x0]  }
0x2: {  	s2 =	rddreg [dreg:$0x1]  }
0x3: {  	s0 =	rddreg [dreg:$0x2]  }
0x4: {  	s4 =	srdreg.scid;
	_ =	strace $0x8000004D;
	s6 =	simm.s32 $0x2  }
0x5: {  	s12 =	simm.s32 $0x0;
	p0 =	por $0x0, $0x0;
	s13 =	simm.s32 $0x0  }
.Ltmp0:
0x6: {  	s8 =	simm.s32 $0x0;
	s9 =	simm.s32 $0x0;
	(pc) =	sbr.rel .LBB1_1-.Ltmp0, $4  }
0x7: {  	s10 =	simm.s32 $0x0;
	s3 =	sadd.s32 $0x1000, s1;
	s4 =	sshll.u32 s4, $0x4  }
0x8: {  	s1 =	stileid.u32;
	s5 =	sand.u32 $0x10, s4;
	s4 =	simm.s32 $0x1  }
0x9: {  	s7 =	simm.s32 $0x0;
	s5 =	sor.u32 s1, s5;
	[sflag:s4] =	ssyncpa.u1 $0x0  }
0xa: {  	[sflag:s6] =	ssyncpa.u1 $0x0;
	s6 =	simm.s32 $0x2000;
	s11 =	smov.u32 s5  }
.LBB1_5:
0xb: {  	p1 =	slt.u32 s7, $0x2  }
0xc: {  	s15 =	smov.u32 s13;
	p2 =	sgt.s32 @!p1 s13, $0x7F;
	s14 =	sshra.s32 @!p1 s13, $0x1F  }
0xd: {  	p3 =	sgt.s32 @!p1 s12, $0x380;
	s16 =	sshra.s32 @!p1 s12, $0x1F;
	p2 =	por !p2, p1  }
0xe: {  	s13 =	sand.u32 @!p1 s14, s13;
	p3 =	por !p3, p1;
	s14 =	smov.u32 s12  }
0xf: {  	s12 =	sand.u32 @!p1 s16, s12;
	s15 =	simm.s32 @p2 $0x7F;
	s14 =	simm.s32 @p3 $0x380  }
0x10: {  	s16 =	smov.u32 s11;
	s13 =	ssub.s32 @!p1 s15, s13;
	s12 =	ssub.s32 @!p1 s14, s12  }
0x11: {  	s14 =	sadd.s32 @!p1 $0xFFFFFF81, s13;
	s13 =	ssub.s32 @!p1 $0x80, s13;
	s15 =	sadd.s32 @!p1 $0xFFFFFC80, s12  }
0x12: {  	p2 =	sgt.s32 @!p1 s14, $0x0;
	s13 =	smul.u32 @!p1 $0x60, s13;
	p3 =	sgt.s32 @!p1 s15, $0x7F  }
0x13: {  	s12 =	ssub.s32 @!p1 $0x400, s12;
	p2 =	por !p2, p1;
	p3 =	por !p3, p1  }
0x14: {  	s14 =	sadd.s32 $0x80, s10;
	s13 =	simm.s32 @!p2 $0x0;
	s12 =	simm.s32 @!p3 $0x0  }
0x15: {  	p2 =	sgt.s32 s14, $0x3FF;
	s12 =	smul.u32 @!p1 s12, s13;
	s13 =	sadd.s32 $0x20, s11  }
0x16: {  	s16 =	smov.u32 @p2 s13  }
0x17: {  	s7 =	sadd.s32 $0x1, s7;
	s14 =	simm.s32 @p2 $0x0;
	p2 =	sgt.s32 s16, $0x7F  }
0x18: {  	s16 =	smov.u32 @p2 s5;
	p2 =	sne.s32 s7, $0x22  }
.Ltmp1:
0x19: {  	p0 =	por !p0, !p0;
	(pc) =	sbr.rel @!p2 .LBB1_6-.Ltmp1, $4  }
0x1a: {  	s15 =	simm.s32 @!p1 $0x2;
	s13 =	smov.u32 s9;
	s12 =	sand.u32 @!p1 $0x3FFFFFE0, s12  }
0x1b: {  	s9 =	smov.u32 s11;
	_ =	swait.ge @!p1 [sflag:s15], s12;
	s17 =	ssub.s32 @!p1 $0x0, s12  }
0x1c: {  	s12 =	smov.u32 s8;
	s8 =	smov.u32 s10;
	[sflag:s15] =	ssyncset.done @!p1 $0x0  }
0x1d: {  	s10 =	smov.u32 s14;
	s11 =	smov.u32 s16;
	[sflag:s15] =	ssyncadd.s32 @!p1 s17  }
.LBB1_1:
0x1e: {  	p1 =	sgt.u32 s7, $0x1F  }
0x1f: {  	s14 =	sxor.u32 @!p1 $0xFFFFFFFF, s7;
	s15 =	sshll.u32 @!p1 s11, $0xE;
	s16 =	sshll.u32 @!p1 s10, $0x4  }
0x20: {  	s14 =	sshll.u32 @!p1 s14, $0xE;
	s16 =	sand.u32 @!p1 $0x3FF0, s16;
	s15 =	sadd.s32 @!p1 s3, s15  }
0x21: {  	s14 =	sand.u32 @!p1 $0x4000, s14;
	s15 =	sadd.s32 @!p1 s16, s15;
	s16 =	simm.s32 @!p1 $0x0  }
0x22: {  	[tilespmem:s14], [sflag:$0x1] =	stream.linear.gather @!p1 [hbm4b:s15+s16], $0x4000, $0x38;
	[tilespmem:$0x10100] =	vst v63  }
0x23: {  	p1 =	seq.s32 s7, $0x0  }
0x24: {  	p2 =	seq.s32 @!p1 s7, $0x21  }
0x25: {  	p1 =	por p1, p2  }
.Ltmp2:
0x26: {  	_ = 	snop;
	(pc) =	sbr.rel @p1 .LBB1_5-.Ltmp2, $1  }
0x27: {  	_ =	sdelay $0x3  }
0x28: {  	s14 =	simm.s32 $0x1  }
0x29: {  	_ =	swait.ge [sflag:s4], $0x4000;
	s14 =	simm.s32 @!p0 $0x0  }
0x2a: {  	[sflag:s4] =	ssyncset.done $0x0;
	s15 =	sshll.u32 s14, $0xE  }
0x2b: {  	[sflag:s4] =	ssyncadd.s32 $0xFFFFC000;
	s15 =	sor.u32 $0x40, s15  }
0x2c: {  	s14 =	smul.u32 $0x10200, s14;
	v0 =	vld [tilespmem:s15+$0x30]  }
0x2d: {  	v1 =	vld [tilespmem:s15+$0xFFFFFFD0]  }
0x2e: {  	s14 =	sshrl.u32 s14, $0x2;
	v5 =	vld [tilespmem:s15+$0xFFFFFFE0]  }
0x2f: {  	v6 =	vld [tilespmem:s15+$0xFFFFFFF0];
	s17 =	sor.u32 $0x8000, s14  }
0x30: {  	s31 =	sand.u32 $0x1, s7;
	v4 =	vld [tilespmem:s15+$0x0];
	s16 =	sadd.s32 $0x0, s17  }
0x31: {  	v3 =	vld [tilespmem:s15+$0x10];
	s14 =	smul.u32 $0x10200, s31;
	[tilespmem:s16+$0x3870 ss:$0x81] =	vst.msk $0xffff, v0  }
0x32: {  	v2 =	vld [tilespmem:s15+$0x20];
	[tilespmem:s16+$0x810 ss:$0x81] =	vst.msk $0xffff, v1  }
0x33: {  	s14 =	sshrl.u32 s14, $0x2;
	v1 =	vld [tilespmem:s15+$0xFFFFFFC0];
	[tilespmem:s16+$0x1020 ss:$0x81] =	vst.msk $0xffff, v5;
	s15 =	sadd.s32 $0x80, s15  }
0x34: {  	s18 =	simm.s32 $0x4;
	s19 =	simm.s32 $0x8;
	s14 =	sor.u32 $0x8000, s14;
	[tilespmem:s16+$0x1830 ss:$0x81] =	vst.msk $0xffff, v6;
	v0 =	vld [tilespmem:s15+$0x30]  }
.LBB1_3:
0x35: {  	p1 =	sne.s32 s19, $0x1FC;
	v5 =	vld [tilespmem:s15+$0xFFFFFFD0];
	[tilespmem:s16+$0x2040 ss:$0x81] =	vst.msk $0xffff, v4  }
0x36: {  	v6 =	vld [tilespmem:s15+$0xFFFFFFE0];
	[tilespmem:s16+$0x2850 ss:$0x81] =	vst.msk $0xffff, v3  }
0x37: {  	s20 =	sshra.s32 s18, $0x2;
	s18 =	smov.u32 s19;
	v7 =	vld [tilespmem:s15+$0xFFFFFFF0];
	[tilespmem:s16+$0x3060 ss:$0x81] =	vst.msk $0xffff, v2  }
.Ltmp3:
0x38: {  	v4 =	vld [tilespmem:s15+$0x0];
	[tilespmem:s16+$0x0 ss:$0x81] =	vst.msk $0xffff, v1;
	s16 =	sadd.s32 s20, s17;
	(pc) =	sbr.rel @p1 .LBB1_3-.Ltmp3, $4  }
0x39: {  	v3 =	vld [tilespmem:s15+$0x10];
	[tilespmem:s16+$0x3870 ss:$0x81] =	vst.msk $0xffff, v0  }
0x3a: {  	[tilespmem:s16+$0x810 ss:$0x81] =	vst.msk $0xffff, v5;
	v2 =	vld [tilespmem:s15+$0x20]  }
0x3b: {  	v1 =	vld [tilespmem:s15+$0xFFFFFFC0];
	[tilespmem:s16+$0x1020 ss:$0x81] =	vst.msk $0xffff, v6;
	s15 =	sadd.s32 $0x80, s15  }
0x3c: {  	s19 =	sadd.s32 $0x4, s19;
	v0 =	vld [tilespmem:s15+$0x30];
	[tilespmem:s16+$0x1830 ss:$0x81] =	vst.msk $0xffff, v7  }
0x3d: {  	s18 =	sshra.s32 s18, $0x2;
	s24 =	sshrl.u32 s8, $0x7  }
0x3e: {  	p1 =	sgt.s32 s9, $0x7F;
	s19 =	smov.u32 s9;
	s20 =	sshra.s32 s9, $0x1F  }
0x3f: {  	v5 =	vld [tilespmem:s15+$0xFFFFFFD0];
	[tilespmem:s16+$0x2040 ss:$0x81] =	vst.msk $0xffff, v4;
	s22 =	sshra.s32 s8, $0x1F;
	s27 =	smul.u32 $0x3000, s9;
	s28 =	sshrl.u32 s8, $0x3  }
0x40: {  	v58 =	vld [tilespmem:s15+$0xFFFFFFE0];
	s29 =	sand.u32 $0x7, s8;
	s17 =	sadd.s32 s18, s17;
	s18 =	sand.u32 $0x3FFFFF, s24;
	[tilespmem:s16+$0x2850 ss:$0x81] =	vst.msk $0xffff, v3  }
0x41: {  	v59 =	vld [tilespmem:s15+$0xFFFFFFF0];
	s19 =	simm.s32 @!p1 $0x7F;
	s20 =	sand.u32 s20, s9;
	p1 =	sgt.s32 s8, $0x380;
	[tilespmem:s16+$0x3060 ss:$0x81] =	vst.msk $0xffff, v2  }
0x42: {  	v60 =	vld [tilespmem:s15+$0x0];
	s22 =	sand.u32 s22, s8;
	s19 =	ssub.s32 s19, s20;
	s20 =	smov.u32 s8;
	[tilespmem:s16+$0x0 ss:$0x81] =	vst.msk $0xffff, v1  }
0x43: {  	v61 =	vld [tilespmem:s15+$0x10];
	s21 =	smulhi.u32 $0x2AAAAAB, s18;
	s25 =	ssub.s32 $0x80, s19;
	s20 =	simm.s32 @!p1 $0x380;
	[tilespmem:s17+$0x3870 ss:$0x81] =	vst.msk $0xffff, v0  }
0x44: {  	v62 =	vld [tilespmem:s15+$0x20];
	s19 =	sadd.s32 $0xFFFFFF81, s19;
	s20 =	ssub.s32 s20, s22;
	s16 =	smul.u32 $0x60, s25;
	[tilespmem:s17+$0x810 ss:$0x81] =	vst.msk $0xffff, v5  }
0x45: {  	v63 =	vld [tilespmem:s15+$0xFFFFFFC0];
	s21 =	smul.u32 $0x60, s21;
	p1 =	sgt.s32 s19, $0x0;
	s26 =	sadd.s32 $0xFFFFFC80, s20;
	[tilespmem:s17+$0x1020 ss:$0x81] =	vst.msk $0xffff, v58  }
0x46: {  	s15 =	ssub.s32 $0x400, s20;
	[tilespmem:s17+$0x1830 ss:$0x81] =	vst.msk $0xffff, v59;
	s16 =	simm.s32 @p1 $0x0;
	p1 =	sgt.s32 s26, $0x7F  }
.Ltmp4:
0x47: {  	s19 =	sadd.s32 s2, s27;
	[tilespmem:s17+$0x2040 ss:$0x81] =	vst.msk $0xffff, v60;
	s15 =	simm.s32 @p1 $0x0;
	(pc) =	sbr.rel .LBB1_5-.Ltmp4, $4  }
0x48: {  	[tilespmem:s17+$0x2850 ss:$0x81] =	vst.msk $0xffff, v61;
	s18 =	ssub.s32 s18, s21;
	s15 =	smul.u32 s15, s16;
	s16 =	sand.u32 $0xF, s28  }
0x49: {  	s30 =	sshll.u32 s29, $0x12;
	[tilespmem:s17+$0x3060 ss:$0x81] =	vst.msk $0xffff, v62;
	s18 =	sshll.u32 s18, $0x7;
	s16 =	sadd.s32 s16, s19  }
0x4a: {  	s31 =	sor.u32 $0x400, s30;
	[tilespmem:s17+$0x0 ss:$0x81] =	vst.msk $0xffff, v63;
	s15 =	sand.u32 $0x3FFFFFE0, s15;
	s16 =	sadd.s32 s18, s16  }
0x4b: {  	[hbm4b:s16+s31] =	stream.strided.scatter [tilespmem:s14], [sflag:$0x2], s15, s6, s31, $0x20;
	[tilespmem:$0x10100] =	vst v63  }
.LBB1_6:
0x4c: {  	_ =	sfence.sel $0x180000  }
0x4d: {  	s2 =	simm.s32 $0x1;
	[bflag:$0x0] =	sbarrier.arrive $0xFFFF  }
0x4e: {  	s31 =	simm.s32 $0x2;
	[sflag:s2] =	ssyncpa.u1 $0x1  }
0x4f: {  	[sflag:s31] =	ssyncpa.u1 $0x1  }
0x50: {  	p0 =	sne.s32 s1, $0x0;
	_ =	strace $0x9000004D  }
0x51: {  	s0 =	sadd.s32 @!p0 $0x100000, s0;
	[bflag:$0x2] =	sbarrier.arrive $0xFFFF  }
0x52: {  	[sflag:s0] =	ssyncadd.tile.s32 @!p0 $0x1;
	_ =	shalt  }
.Lfunc_end1:
_tile_overlayer_lowered:
.L_overlay_start_2:
0x53: {  	(tag) =	ssettag $0x2  }
0x54: {  	s0 =	rddreg [dreg:$0x0];
	s2 =	stileid.u32  }
0x55: {  	s1 =	rddreg [dreg:$0x1];
	p0 =	sne.s32 s2, $0x0  }
0x56: {  	s3 =	rddreg [dreg:$0x2];
	[bflag:$0x3] =	sbarrier.arrive $0xFFFF;
	s2 =	simm.s32 @!p0 $0x1C01  }
0x57: {  	[timem:s3], [sflag:s2] =	dma.local @!p0 [hbm:s0], s1  }
0x58: {  	s0 =	simm.s32 @!p0 $0x1  }
0x59: {  	_ =	swait.ge @!p0 [sflag:s0], s1  }
0x5a: {  	s1 =	ssub.s32 @!p0 $0x0, s1;
	[sflag:s0] =	ssyncset.done @!p0 $0x0  }
0x5b: {  	[sflag:s0] =	ssyncadd.s32 @!p0 s1  }
0x5c: {  	[bflag:$0x3] =	sbarrier.arrive $0xFFFF  }
0x5d: {  	_ =	shalt  }

</sc_bundles>
